<compile_context>
chip_gen: v7x
topology: tpu7x:2x2x1
jax: 0.10.2.dev20260603
libtpu: 0.0.44.dev20260713+nightly
codegen_flags: <defaults>
</compile_context>

<pallas_src>
import functools

import jax
import jax.numpy as jnp
from jax.experimental import pallas as pl
from jax.experimental.pallas import tpu as pltpu
from jax.experimental.pallas import tpu_sc as plsc

_SC_CORES = 2
_SC_SUBCORES = 16


_GROWS = 16


def _sc_gather_rows(table, idx):
    rows = idx.shape[0]
    cols = table.shape[1]
    nw = _SC_CORES * _SC_SUBCORES
    b_per_w = rows // nw
    mesh = plsc.VectorSubcoreMesh(
        core_axis_name="c",
        subcore_axis_name="s",
        num_cores=_SC_CORES,
        num_subcores=_SC_SUBCORES,
    )

    @functools.partial(
        pl.kernel,
        out_type=jax.ShapeDtypeStruct((rows, cols), table.dtype),
        mesh=mesh,
        scratch_types=[
            pltpu.VMEM((b_per_w,), jnp.int32),
            pltpu.VMEM((b_per_w, cols), table.dtype),
            pltpu.SemaphoreType.DMA,
        ],
    )
    def gather(idx_hbm, table_hbm, out_hbm, idx_v, rows_v, sem):
        wid = jax.lax.axis_index("s") * _SC_CORES + jax.lax.axis_index("c")
        base = wid * b_per_w
        pltpu.sync_copy(idx_hbm.at[pl.ds(base, b_per_w)], idx_v)
        pltpu.async_copy(table_hbm.at[idx_v], rows_v, sem).wait()
        pltpu.sync_copy(rows_v, out_hbm.at[pl.ds(base, b_per_w)])

    return gather(idx, table)


def _gather_rows_body(idx_ref, *refs):
    out_ref = refs[-1]
    for j in range(_GROWS):
        out_ref[0, j, :] = refs[j][0, 0, :]


def _gather_rows(table, idx, rows, cols):
    grid = rows // _GROWS
    table3 = table.reshape(table.shape[0], 1, cols)

    def mk_map(j):
        return lambda i, idx_ref: (idx_ref[i * _GROWS + j], 0, 0)

    grid_spec = pltpu.PrefetchScalarGridSpec(
        num_scalar_prefetch=1,
        grid=(grid,),
        in_specs=[pl.BlockSpec((1, 1, cols), mk_map(j)) for j in range(_GROWS)],
        out_specs=pl.BlockSpec((1, _GROWS, cols), lambda i, idx_ref: (i, 0, 0)),
    )
    out = pl.pallas_call(
        _gather_rows_body,
        grid_spec=grid_spec,
        out_shape=jax.ShapeDtypeStruct((grid, _GROWS, cols), table.dtype),
    )(idx, *([table3] * _GROWS))
    return out.reshape(rows, cols)


def _linear_scatter_body(n_nodes, scale, idx_ref, g_ref, w_ref, b_ref, bf_ref,
                         acc_ref, h_ref):
    h = jnp.dot(g_ref[...], w_ref[...], preferred_element_type=jnp.float32)
    h_ref[...] = jnp.maximum(h + b_ref[...], 0.0) * scale
    acc_ref[...] = jnp.zeros_like(acc_ref)
    s = g_ref.shape[0]

    def body(i, _):
        r = idx_ref[i]
        acc_ref[pl.ds(r, 1), :] += h_ref[pl.ds(i, 1), :]
        return 0

    jax.lax.fori_loop(0, s, body, 0, unroll=8)
    bf_ref[...] = acc_ref[...].astype(jnp.bfloat16)


def _linear_scatter(idx, g, w, b, n_nodes, scale):
    dout = w.shape[1]
    grid_spec = pltpu.PrefetchScalarGridSpec(
        num_scalar_prefetch=1,
        grid=(1,),
        in_specs=[
            pl.BlockSpec(g.shape, lambda i, idx_ref: (0, 0)),
            pl.BlockSpec(w.shape, lambda i, idx_ref: (0, 0)),
            pl.BlockSpec((1, dout), lambda i, idx_ref: (0, 0)),
        ],
        out_specs=pl.BlockSpec((n_nodes, dout), lambda i, idx_ref: (0, 0)),
        scratch_shapes=[
            pltpu.VMEM((n_nodes, dout), jnp.float32),
            pltpu.VMEM((g.shape[0], dout), jnp.float32),
        ],
    )
    return pl.pallas_call(
        functools.partial(_linear_scatter_body, n_nodes, scale),
        grid_spec=grid_spec,
        out_shape=jax.ShapeDtypeStruct((n_nodes, dout), jnp.bfloat16),
    )(idx, g, w, b.reshape(1, dout))


def _mid_body(scale, nsteps, idx_ref, a_ref, s0_ref, w1_ref, b1_ref, out_ref,
              ag_ref, h_ref, sem):
    i = pl.program_id(0)
    blk = h_ref.shape[0]

    def fire(buf, group):
        def body(j, _):
            r = idx_ref[group * blk + j]
            pltpu.make_async_copy(
                a_ref.at[pl.ds(r, 1), :],
                ag_ref.at[buf, pl.ds(j, 1), :],
                sem.at[buf],
            ).start()
            return 0

        jax.lax.fori_loop(0, blk, body, 0, unroll=8)

    @pl.when(i == 0)
    def _():
        out_ref[...] = jnp.zeros_like(out_ref)
        fire(0, 0)

    @pl.when(i + 1 < nsteps)
    def _():
        fire((i + 1) % 2, i + 1)

    pltpu.make_async_copy(
        a_ref.at[pl.ds(0, blk), :], ag_ref.at[i % 2], sem.at[i % 2]
    ).wait()

    agg = jnp.dot(
        ag_ref[i % 2].astype(jnp.bfloat16),
        s0_ref[...],
        preferred_element_type=jnp.float32,
    )
    h1 = jnp.maximum(agg, 0.0)
    h1 = jnp.dot(h1, w1_ref[...], preferred_element_type=jnp.float32)
    h_ref[...] = jnp.maximum(h1 + b1_ref[...], 0.0) * scale

    def body(j, _):
        r = idx_ref[i * blk + j]
        out_ref[pl.ds(r, 1), :] += h_ref[pl.ds(j, 1), :]
        return 0

    jax.lax.fori_loop(0, blk, body, 0, unroll=8)


def _mid_layer(idx, a_hat, scat0, w1, b1, n_nodes, scale, blk=256):
    s = idx.shape[0]
    k = a_hat.shape[1]
    dout = w1.shape[1]
    nsteps = s // blk
    grid_spec = pltpu.PrefetchScalarGridSpec(
        num_scalar_prefetch=1,
        grid=(nsteps,),
        in_specs=[
            pl.BlockSpec(memory_space=pltpu.MemorySpace.HBM),
            pl.BlockSpec(scat0.shape, lambda i, idx_ref: (0, 0)),
            pl.BlockSpec(w1.shape, lambda i, idx_ref: (0, 0)),
            pl.BlockSpec((1, dout), lambda i, idx_ref: (0, 0)),
        ],
        out_specs=pl.BlockSpec((n_nodes, dout), lambda i, idx_ref: (0, 0)),
        scratch_shapes=[
            pltpu.VMEM((2, blk, k), jnp.float32),
            pltpu.VMEM((blk, dout), jnp.float32),
            pltpu.SemaphoreType.DMA((2,)),
        ],
    )
    return pl.pallas_call(
        functools.partial(_mid_body, scale, nsteps),
        grid_spec=grid_spec,
        out_shape=jax.ShapeDtypeStruct((n_nodes, dout), jnp.float32),
    )(idx, a_hat, scat0, w1, b1.reshape(1, dout))


def _dense_body(a_ref, s_ref, out_ref):
    out_ref[...] = jnp.dot(a_ref[...], s_ref[...], preferred_element_type=jnp.float32)


def _dense_matmul(a, scat, blk=256):
    n, k = a.shape
    dout = scat.shape[1]
    grid = pl.cdiv(n, blk)
    return pl.pallas_call(
        _dense_body,
        grid=(grid,),
        in_specs=[
            pl.BlockSpec((blk, k), lambda i: (i, 0)),
            pl.BlockSpec((k, dout), lambda i: (0, 0)),
        ],
        out_specs=pl.BlockSpec((blk, dout), lambda i: (i, 0)),
        out_shape=jax.ShapeDtypeStruct((n, dout), jnp.float32),
    )(a, scat)


def kernel(X, sampled_nodes_per_layer, A_hat, W0, b0, W1, b1):
    n, din = X.shape
    s = sampled_nodes_per_layer.shape[1]
    scale = float(n) / float(s)
    s0 = sampled_nodes_per_layer[0]
    s1 = sampled_nodes_per_layer[1]

    g0 = _sc_gather_rows(X, s0)
    scat0 = _linear_scatter(s0, g0, W0, b0, n, scale)
    scat1 = _mid_layer(s1, A_hat, scat0, W1, b1, n, scale)
    return scat1

# --- scband reference (transcript-rebuilt; emitter-appended) ---
"""Pipeline reference for scband-fast-gcn-85856396247845 (READ-ONLY COPY).

The authoritative reference and input builder live on the scoring server;
editing this copy changes nothing except your own understanding.
"""

import jax, jax.numpy as jnp
import numpy as np

N = 10000
DIN = 512
DH = 128
DOUT = 128
S = 2048
NUM_LAYERS = 2


def setup_inputs(seed: int = 0) -> dict:
    key = jax.random.key(seed)
    ks = jax.random.split(key, 6)
    X = jax.random.normal(ks[0], (N, DIN), dtype=jnp.float32)
    A_hat = jax.random.uniform(ks[1], (N, N), dtype=jnp.float32) * (1.0 / 32.0)
    sampled_nodes_per_layer = jax.random.randint(ks[2], (NUM_LAYERS, S), 0, N, dtype=jnp.int32)
    W0 = jax.random.normal(ks[3], (DIN, DH), dtype=jnp.float32) * (1.0 / np.sqrt(DIN))
    b0 = jnp.zeros((DH,), dtype=jnp.float32)
    W1 = jax.random.normal(ks[4], (DH, DOUT), dtype=jnp.float32) * (1.0 / np.sqrt(DH))
    b1 = jnp.zeros((DOUT,), dtype=jnp.float32)
    return {"X": X, "sampled_nodes_per_layer": sampled_nodes_per_layer, "A_hat": A_hat,
            "W0": W0, "b0": b0, "W1": W1, "b1": b1}


def reference(X, sampled_nodes_per_layer, A_hat, W0, b0, W1, b1):
    num_nodes = X.shape[0]
    params = [(W0, b0), (W1, b1)]
    H = X
    for l in range(NUM_LAYERS):
        sampled = sampled_nodes_per_layer[l]
        if l < NUM_LAYERS - 1:
            next_sampled = sampled_nodes_per_layer[l + 1]
        else:
            next_sampled = jnp.arange(num_nodes, dtype=jnp.int32)
        W, b = params[l]
        # H_l = relu(Linear(H[sampled]))
        H_l = jax.nn.relu(jnp.take(H, sampled, axis=0) @ W + b)
        # weights[i, j] = A_hat[next_sampled[i], sampled[j]] * N / len(sampled)
        w_rows = jnp.take(A_hat, next_sampled, axis=0)
        weights = jnp.take(w_rows, sampled, axis=1) * (float(num_nodes) / float(sampled.shape[0]))
        aggregated = weights @ H_l
        # scatter-overwrite aggregated rows into a zero [N, out] buffer
        H = jnp.zeros((num_nodes, W.shape[1]), dtype=X.dtype).at[next_sampled].set(aggregated)
        if l < NUM_LAYERS - 1:
            H = jax.nn.relu(H)
    return H

if __name__ == "__main__":
    import jax
    _d = setup_inputs()
    print(jax.jit(kernel)(*tuple(_d.values())))

</pallas_src>

<mosaic_0001>
#map = affine_map<(d0, d1) -> (0)>
#map1 = affine_map<(d0, d1) -> (0, 0)>
module attributes {stable_mosaic.version = 14 : i64} {
  func.func @gather(%arg0: i32, %arg1: i32, %arg2: memref<2048xi32, #tpu.memory_space<hbm>>, %arg3: memref<10000x512xf32, #tpu.memory_space<hbm>>, %arg4: memref<2048x512xf32, #tpu.memory_space<hbm>>, %arg5: memref<64xi32, #tpu.memory_space<vmem>>, %arg6: memref<64x512xf32, #tpu.memory_space<vmem>>, %arg7: memref<!tpu.dma_semaphore, #tpu.memory_space<semaphore_mem>>) attributes {dimension_semantics = [#tpu.dimension_semantics<core_parallel>, #tpu.dimension_semantics<subcore_parallel>], iteration_bounds = array<i64: 2, 16>, scalar_prefetch = 0 : i64, scratch_operands = 3 : i64, tpu.core_type = #tpu.core_type<sc_vector_subcore>, window_params = [{transform_indices = #map}, {transform_indices = #map1}, {transform_indices = #map1}]} {
    %mul3A = arith.constant 2 : i32
    %mul3A_0 = arith.muli %arg1, %mul3A : i32
    %add3A = arith.addi %mul3A_0, %arg0 : i32
    %mul3A_1 = arith.constant 64 : i32
    %mul3A_2 = arith.muli %add3A, %mul3A_1 : i32
    "tpu.region"() ({
      %run_scoped3A = tpu.sem_alloc : memref<!tpu.dma_semaphore, #tpu.memory_space<semaphore_mem>>
      %dma_start3A_7 = tpu.memref_slice %arg2[%mul3A_2] : memref<2048xi32, #tpu.memory_space<hbm>> -> memref<64xi32, #tpu.memory_space<hbm>>
      %dma_start3A_8 = tpu.memref_slice %arg2[%mul3A_2] : memref<2048xi32, #tpu.memory_space<hbm>> -> memref<64xi32, #tpu.memory_space<hbm>>
      tpu.enqueue_dma source(%dma_start3A_8 : memref<64xi32, #tpu.memory_space<hbm>>) target(%arg5 : memref<64xi32, #tpu.memory_space<vmem>>) target_semaphore(%run_scoped3A : memref<!tpu.dma_semaphore, #tpu.memory_space<semaphore_mem>>)
      %dma_wait3A_9 = tpu.memref_slice %arg2[%mul3A_2] : memref<2048xi32, #tpu.memory_space<hbm>> -> memref<64xi32, #tpu.memory_space<hbm>>
      %dma_wait3A_10 = tpu.memref_slice %arg2[%mul3A_2] : memref<2048xi32, #tpu.memory_space<hbm>> -> memref<64xi32, #tpu.memory_space<hbm>>
      tpu.wait_dma2 semaphore(%run_scoped3A : memref<!tpu.dma_semaphore, #tpu.memory_space<semaphore_mem>>) src(%dma_wait3A_10 : memref<64xi32, #tpu.memory_space<hbm>>) dst(%arg5 : memref<64xi32, #tpu.memory_space<vmem>>)
      tpu.yield
    }) : () -> ()
    %dma_start3A = arith.constant 0 : i32
    %dma_start3A_3 = arith.constant 0 : i32
    %dma_start3A_4 = tpu.memref_slice %arg3[%dma_start3A, %dma_start3A_3] : memref<10000x512xf32, #tpu.memory_space<hbm>> -> memref<10000x512xf32, #tpu.memory_space<hbm>>
    tpu.enqueue_indirect_dma source(%dma_start3A_4 : memref<10000x512xf32, #tpu.memory_space<hbm>>) target(%arg6 : memref<64x512xf32, #tpu.memory_space<vmem>>) offsets(%arg5 : memref<64xi32, #tpu.memory_space<vmem>>) semaphore(%arg7 : memref<!tpu.dma_semaphore, #tpu.memory_space<semaphore_mem>>)
    %dma_wait3A = arith.constant 0 : i32
    %dma_wait3A_5 = arith.constant 0 : i32
    %dma_wait3A_6 = tpu.memref_slice %arg3[%dma_wait3A, %dma_wait3A_5] : memref<10000x512xf32, #tpu.memory_space<hbm>> -> memref<10000x512xf32, #tpu.memory_space<hbm>>
    tpu.wait_indirect_dma semaphore(%arg7 : memref<!tpu.dma_semaphore, #tpu.memory_space<semaphore_mem>>) src(%dma_wait3A_6 : memref<10000x512xf32, #tpu.memory_space<hbm>>) dst(%arg6 : memref<64x512xf32, #tpu.memory_space<vmem>>)
    "tpu.region"() ({
      %run_scoped3A = tpu.sem_alloc : memref<!tpu.dma_semaphore, #tpu.memory_space<semaphore_mem>>
      %dma_start3A_7 = arith.constant 0 : i32
      %dma_start3A_8 = tpu.memref_slice %arg4[%mul3A_2, %dma_start3A_7] : memref<2048x512xf32, #tpu.memory_space<hbm>> -> memref<64x512xf32, #tpu.memory_space<hbm>>
      %dma_start3A_9 = arith.constant 0 : i32
      %dma_start3A_10 = tpu.memref_slice %arg4[%mul3A_2, %dma_start3A_9] : memref<2048x512xf32, #tpu.memory_space<hbm>> -> memref<64x512xf32, #tpu.memory_space<hbm>>
      tpu.enqueue_dma source(%arg6 : memref<64x512xf32, #tpu.memory_space<vmem>>) target(%dma_start3A_10 : memref<64x512xf32, #tpu.memory_space<hbm>>) target_semaphore(%run_scoped3A : memref<!tpu.dma_semaphore, #tpu.memory_space<semaphore_mem>>)
      %dma_wait3A_11 = arith.constant 0 : i32
      %dma_wait3A_12 = tpu.memref_slice %arg4[%mul3A_2, %dma_wait3A_11] : memref<2048x512xf32, #tpu.memory_space<hbm>> -> memref<64x512xf32, #tpu.memory_space<hbm>>
      %dma_wait3A_13 = arith.constant 0 : i32
      %dma_wait3A_14 = tpu.memref_slice %arg4[%mul3A_2, %dma_wait3A_13] : memref<2048x512xf32, #tpu.memory_space<hbm>> -> memref<64x512xf32, #tpu.memory_space<hbm>>
      tpu.wait_dma2 semaphore(%run_scoped3A : memref<!tpu.dma_semaphore, #tpu.memory_space<semaphore_mem>>) src(%arg6 : memref<64x512xf32, #tpu.memory_space<vmem>>) dst(%dma_wait3A_14 : memref<64x512xf32, #tpu.memory_space<hbm>>)
      tpu.yield
    }) : () -> ()
    return
  }
}

module attributes {stable_mosaic.version = 14 : i64} {
  func.func @_mid_body(%arg0: i32, %arg1: memref<2048xi32, #tpu.memory_space<smem>>, %arg2: memref<10000x10000xf32, #tpu.memory_space<hbm>>, %arg3: memref<10000x128xbf16, #tpu.memory_space<vmem>>, %arg4: memref<128x128xf32, #tpu.memory_space<vmem>>, %arg5: memref<1x128xf32, #tpu.memory_space<vmem>>, %arg6: memref<10000x128xf32, #tpu.memory_space<vmem>>, %arg7: memref<2x256x10000xf32, #tpu.memory_space<vmem>>, %arg8: memref<256x128xf32, #tpu.memory_space<vmem>>, %arg9: memref<2x!tpu.dma_semaphore, #tpu.memory_space<semaphore_mem>>) attributes {dimension_semantics = [#tpu.dimension_semantics<arbitrary>], iteration_bounds = array<i64: 8>, scalar_prefetch = 1 : i64, scratch_operands = 3 : i64, tpu.core_type = #tpu.core_type<tc>, window_params = [{}, {pipeline_mode = #tpu.pipeline_mode<synchronous>, transform_indices = @transform_1, window_bounds = array<i64: 10000, 128>}, {pipeline_mode = #tpu.pipeline_mode<synchronous>, transform_indices = @transform_2, window_bounds = array<i64: 128, 128>}, {pipeline_mode = #tpu.pipeline_mode<synchronous>, transform_indices = @transform_3, window_bounds = array<i64: 1, 128>}, {pipeline_mode = #tpu.pipeline_mode<synchronous>, transform_indices = @transform_4, window_bounds = array<i64: 10000, 128>}]} {
    %eq3A = arith.constant 0 : i32
    %eq3A_0 = arith.cmpi eq, %arg0, %eq3A : i32
    %convert_element_type3A = arith.extui %eq3A_0 : i1 to i32
    %cond3A = arith.constant 0 : i32
    %cond3A_1 = arith.cmpi ne, %convert_element_type3A, %cond3A : i32
    scf.if %cond3A_1 {
      %broadcast_in_dim3A = arith.constant 0.000000e+00 : f32
      %broadcast_in_dim3A_90 = vector.broadcast %broadcast_in_dim3A : f32 to vector<10000x128xf32>
      %swap3A_91 = arith.constant 0 : index
      %swap3A_92 = arith.constant 0 : index
      %swap3A_93 = vector.load %arg6[%swap3A_91, %swap3A_92] : memref<10000x128xf32, #tpu.memory_space<vmem>>, vector<10000x128xf32>
      tpu.vector_store %arg6[%swap3A_91, %swap3A_92], %broadcast_in_dim3A_90 {strides = array<i32>} : memref<10000x128xf32, #tpu.memory_space<vmem>>, vector<10000x128xf32>,
      %scan3A_94 = arith.constant 0 : i32
      %scan3A_95 = arith.constant 256 : i32
      %scan3A_96 = arith.addi %scan3A_94, %scan3A_95 : i32
      %scan3A_97 = arith.constant 8 : i32
      scf.for %scan3A_99 = %scan3A_94 to %scan3A_96 step %scan3A_97  : i32 {
        %add3A_100 = arith.constant 0 : i32
        %add3A_101 = arith.addi %add3A_100, %scan3A_99 : i32
        %get3A_102 = arith.index_cast %add3A_101 : i32 to index
        %get3A_103 = memref.load %arg1[%get3A_102] : memref<2048xi32, #tpu.memory_space<smem>>
        %dma_start3A = arith.constant 0 : i32
        %dma_start3A_104 = arith.constant 0 : i32
        %dma_start3A_105 = tpu.memref_slice %arg9[%dma_start3A_104] : memref<2x!tpu.dma_semaphore, #tpu.memory_space<semaphore_mem>> -> memref<1x!tpu.dma_semaphore, #tpu.memory_space<semaphore_mem>>
        %dma_start3A_106 = tpu.memref_squeeze %dma_start3A_105 : memref<1x!tpu.dma_semaphore, #tpu.memory_space<semaphore_mem>> -> memref<!tpu.dma_semaphore, #tpu.memory_space<semaphore_mem>>
        %dma_start3A_107 = arith.constant 0 : i32
        %dma_start3A_108 = tpu.memref_slice %arg7[%dma_start3A, %scan3A_99, %dma_start3A_107] : memref<2x256x10000xf32, #tpu.memory_space<vmem>> -> memref<1x1x10000xf32, #tpu.memory_space<vmem>>
        %dma_start3A_109 = tpu.memref_squeeze %dma_start3A_108 : memref<1x1x10000xf32, #tpu.memory_space<vmem>> -> memref<1x10000xf32, #tpu.memory_space<vmem>>
        %dma_start3A_110 = arith.constant 0 : i32
        %dma_start3A_111 = tpu.memref_slice %arg2[%get3A_103, %dma_start3A_110] : memref<10000x10000xf32, #tpu.memory_space<hbm>> -> memref<1x10000xf32, #tpu.memory_space<hbm>>
        tpu.enqueue_dma source(%dma_start3A_111 : memref<1x10000xf32, #tpu.memory_space<hbm>>) target(%dma_start3A_109 : memref<1x10000xf32, #tpu.memory_space<vmem>>) target_semaphore(%dma_start3A_106 : memref<!tpu.dma_semaphore, #tpu.memory_space<semaphore_mem>>)
        %scan3A_112 = arith.constant 1 : i32
        %scan3A_113 = arith.addi %scan3A_99, %scan3A_112 : i32
        %add3A_114 = arith.constant 0 : i32
        %add3A_115 = arith.addi %add3A_114, %scan3A_113 : i32
        %get3A_116 = arith.index_cast %add3A_115 : i32 to index
        %get3A_117 = memref.load %arg1[%get3A_116] : memref<2048xi32, #tpu.memory_space<smem>>
        %dma_start3A_118 = arith.constant 0 : i32
        %dma_start3A_119 = arith.constant 0 : i32
        %dma_start3A_120 = tpu.memref_slice %arg9[%dma_start3A_119] : memref<2x!tpu.dma_semaphore, #tpu.memory_space<semaphore_mem>> -> memref<1x!tpu.dma_semaphore, #tpu.memory_space<semaphore_mem>>
        %dma_start3A_121 = tpu.memref_squeeze %dma_start3A_120 : memref<1x!tpu.dma_semaphore, #tpu.memory_space<semaphore_mem>> -> memref<!tpu.dma_semaphore, #tpu.memory_space<semaphore_mem>>
        %dma_start3A_122 = arith.constant 0 : i32
        %dma_start3A_123 = tpu.memref_slice %arg7[%dma_start3A_118, %scan3A_113, %dma_start3A_122] : memref<2x256x10000xf32, #tpu.memory_space<vmem>> -> memref<1x1x10000xf32, #tpu.memory_space<vmem>>
        %dma_start3A_124 = tpu.memref_squeeze %dma_start3A_123 : memref<1x1x10000xf32, #tpu.memory_space<vmem>> -> memref<1x10000xf32, #tpu.memory_space<vmem>>
        %dma_start3A_125 = arith.constant 0 : i32
        %dma_start3A_126 = tpu.memref_slice %arg2[%get3A_117, %dma_start3A_125] : memref<10000x10000xf32, #tpu.memory_space<hbm>> -> memref<1x10000xf32, #tpu.memory_space<hbm>>
        tpu.enqueue_dma source(%dma_start3A_126 : memref<1x10000xf32, #tpu.memory_space<hbm>>) target(%dma_start3A_124 : memref<1x10000xf32, #tpu.memory_space<vmem>>) target_semaphore(%dma_start3A_121 : memref<!tpu.dma_semaphore, #tpu.memory_space<semaphore_mem>>)
        %scan3A_127 = arith.constant 2 : i32
        %scan3A_128 = arith.addi %scan3A_99, %scan3A_127 : i32
        %add3A_129 = arith.constant 0 : i32
        %add3A_130 = arith.addi %add3A_129, %scan3A_128 : i32
        %get3A_131 = arith.index_cast %add3A_130 : i32 to index
        %get3A_132 = memref.load %arg1[%get3A_131] : memref<2048xi32, #tpu.memory_space<smem>>
        %dma_start3A_133 = arith.constant 0 : i32
        %dma_start3A_134 = arith.constant 0 : i32
        %dma_start3A_135 = tpu.memref_slice %arg9[%dma_start3A_134] : memref<2x!tpu.dma_semaphore, #tpu.memory_space<semaphore_mem>> -> memref<1x!tpu.dma_semaphore, #tpu.memory_space<semaphore_mem>>
        %dma_start3A_136 = tpu.memref_squeeze %dma_start3A_135 : memref<1x!tpu.dma_semaphore, #tpu.memory_space<semaphore_mem>> -> memref<!tpu.dma_semaphore, #tpu.memory_space<semaphore_mem>>
        %dma_start3A_137 = arith.constant 0 : i32
        %dma_start3A_138 = tpu.memref_slice %arg7[%dma_start3A_133, %scan3A_128, %dma_start3A_137] : memref<2x256x10000xf32, #tpu.memory_space<vmem>> -> memref<1x1x10000xf32, #tpu.memory_space<vmem>>
        %dma_start3A_139 = tpu.memref_squeeze %dma_start3A_138 : memref<1x1x10000xf32, #tpu.memory_space<vmem>> -> memref<1x10000xf32, #tpu.memory_space<vmem>>
        %dma_start3A_140 = arith.constant 0 : i32
        %dma_start3A_141 = tpu.memref_slice %arg2[%get3A_132, %dma_start3A_140] : memref<10000x10000xf32, #tpu.memory_space<hbm>> -> memref<1x10000xf32, #tpu.memory_space<hbm>>
        tpu.enqueue_dma source(%dma_start3A_141 : memref<1x10000xf32, #tpu.memory_space<hbm>>) target(%dma_start3A_139 : memref<1x10000xf32, #tpu.memory_space<vmem>>) target_semaphore(%dma_start3A_136 : memref<!tpu.dma_semaphore, #tpu.memory_space<semaphore_mem>>)
        %scan3A_142 = arith.constant 3 : i32
        %scan3A_143 = arith.addi %scan3A_99, %scan3A_142 : i32
        %add3A_144 = arith.constant 0 : i32
        %add3A_145 = arith.addi %add3A_144, %scan3A_143 : i32
        %get3A_146 = arith.index_cast %add3A_145 : i32 to index
        %get3A_147 = memref.load %arg1[%get3A_146] : memref<2048xi32, #tpu.memory_space<smem>>
        %dma_start3A_148 = arith.constant 0 : i32
        %dma_start3A_149 = arith.constant 0 : i32
        %dma_start3A_150 = tpu.memref_slice %arg9[%dma_start3A_149] : memref<2x!tpu.dma_semaphore, #tpu.memory_space<semaphore_mem>> -> memref<1x!tpu.dma_semaphore, #tpu.memory_space<semaphore_mem>>
        %dma_start3A_151 = tpu.memref_squeeze %dma_start3A_150 : memref<1x!tpu.dma_semaphore, #tpu.memory_space<semaphore_mem>> -> memref<!tpu.dma_semaphore, #tpu.memory_space<semaphore_mem>>
        %dma_start3A_152 = arith.constant 0 : i32
        %dma_start3A_153 = tpu.memref_slice %arg7[%dma_start3A_148, %scan3A_143, %dma_start3A_152] : memref<2x256x10000xf32, #tpu.memory_space<vmem>> -> memref<1x1x10000xf32, #tpu.memory_space<vmem>>
        %dma_start3A_154 = tpu.memref_squeeze %dma_start3A_153 : memref<1x1x10000xf32, #tpu.memory_space<vmem>> -> memref<1x10000xf32, #tpu.memory_space<vmem>>
        %dma_start3A_155 = arith.constant 0 : i32
        %dma_start3A_156 = tpu.memref_slice %arg2[%get3A_147, %dma_start3A_155] : memref<10000x10000xf32, #tpu.memory_space<hbm>> -> memref<1x10000xf32, #tpu.memory_space<hbm>>
        tpu.enqueue_dma source(%dma_start3A_156 : memref<1x10000xf32, #tpu.memory_space<hbm>>) target(%dma_start3A_154 : memref<1x10000xf32, #tpu.memory_space<vmem>>) target_semaphore(%dma_start3A_151 : memref<!tpu.dma_semaphore, #tpu.memory_space<semaphore_mem>>)
        %scan3A_157 = arith.constant 4 : i32
        %scan3A_158 = arith.addi %scan3A_99, %scan3A_157 : i32
        %add3A_159 = arith.constant 0 : i32
        %add3A_160 = arith.addi %add3A_159, %scan3A_158 : i32
        %get3A_161 = arith.index_cast %add3A_160 : i32 to index
        %get3A_162 = memref.load %arg1[%get3A_161] : memref<2048xi32, #tpu.memory_space<smem>>
        %dma_start3A_163 = arith.constant 0 : i32
        %dma_start3A_164 = arith.constant 0 : i32
        %dma_start3A_165 = tpu.memref_slice %arg9[%dma_start3A_164] : memref<2x!tpu.dma_semaphore, #tpu.memory_space<semaphore_mem>> -> memref<1x!tpu.dma_semaphore, #tpu.memory_space<semaphore_mem>>
        %dma_start3A_166 = tpu.memref_squeeze %dma_start3A_165 : memref<1x!tpu.dma_semaphore, #tpu.memory_space<semaphore_mem>> -> memref<!tpu.dma_semaphore, #tpu.memory_space<semaphore_mem>>
        %dma_start3A_167 = arith.constant 0 : i32
        %dma_start3A_168 = tpu.memref_slice %arg7[%dma_start3A_163, %scan3A_158, %dma_start3A_167] : memref<2x256x10000xf32, #tpu.memory_space<vmem>> -> memref<1x1x10000xf32, #tpu.memory_space<vmem>>
        %dma_start3A_169 = tpu.memref_squeeze %dma_start3A_168 : memref<1x1x10000xf32, #tpu.memory_space<vmem>> -> memref<1x10000xf32, #tpu.memory_space<vmem>>
        %dma_start3A_170 = arith.constant 0 : i32
        %dma_start3A_171 = tpu.memref_slice %arg2[%get3A_162, %dma_start3A_170] : memref<10000x10000xf32, #tpu.memory_space<hbm>> -> memref<1x10000xf32, #tpu.memory_space<hbm>>
        tpu.enqueue_dma source(%dma_start3A_171 : memref<1x10000xf32, #tpu.memory_space<hbm>>) target(%dma_start3A_169 : memref<1x10000xf32, #tpu.memory_space<vmem>>) target_semaphore(%dma_start3A_166 : memref<!tpu.dma_semaphore, #tpu.memory_space<semaphore_mem>>)
        %scan3A_172 = arith.constant 5 : i32
        %scan3A_173 = arith.addi %scan3A_99, %scan3A_172 : i32
        %add3A_174 = arith.constant 0 : i32
        %add3A_175 = arith.addi %add3A_174, %scan3A_173 : i32
        %get3A_176 = arith.index_cast %add3A_175 : i32 to index
        %get3A_177 = memref.load %arg1[%get3A_176] : memref<2048xi32, #tpu.memory_space<smem>>
        %dma_start3A_178 = arith.constant 0 : i32
        %dma_start3A_179 = arith.constant 0 : i32
        %dma_start3A_180 = tpu.memref_slice %arg9[%dma_start3A_179] : memref<2x!tpu.dma_semaphore, #tpu.memory_space<semaphore_mem>> -> memref<1x!tpu.dma_semaphore, #tpu.memory_space<semaphore_mem>>
        %dma_start3A_181 = tpu.memref_squeeze %dma_start3A_180 : memref<1x!tpu.dma_semaphore, #tpu.memory_space<semaphore_mem>> -> memref<!tpu.dma_semaphore, #tpu.memory_space<semaphore_mem>>
        %dma_start3A_182 = arith.constant 0 : i32
        %dma_start3A_183 = tpu.memref_slice %arg7[%dma_start3A_178, %scan3A_173, %dma_start3A_182] : memref<2x256x10000xf32, #tpu.memory_space<vmem>> -> memref<1x1x10000xf32, #tpu.memory_space<vmem>>
        %dma_start3A_184 = tpu.memref_squeeze %dma_start3A_183 : memref<1x1x10000xf32, #tpu.memory_space<vmem>> -> memref<1x10000xf32, #tpu.memory_space<vmem>>
        %dma_start3A_185 = arith.constant 0 : i32
        %dma_start3A_186 = tpu.memref_slice %arg2[%get3A_177, %dma_start3A_185] : memref<10000x10000xf32, #tpu.memory_space<hbm>> -> memref<1x10000xf32, #tpu.memory_space<hbm>>
        tpu.enqueue_dma source(%dma_start3A_186 : memref<1x10000xf32, #tpu.memory_space<hbm>>) target(%dma_start3A_184 : memref<1x10000xf32, #tpu.memory_space<vmem>>) target_semaphore(%dma_start3A_181 : memref<!tpu.dma_semaphore, #tpu.memory_space<semaphore_mem>>)
        %scan3A_187 = arith.constant 6 : i32
        %scan3A_188 = arith.addi %scan3A_99, %scan3A_187 : i32
        %add3A_189 = arith.constant 0 : i32
        %add3A_190 = arith.addi %add3A_189, %scan3A_188 : i32
        %get3A_191 = arith.index_cast %add3A_190 : i32 to index
        %get3A_192 = memref.load %arg1[%get3A_191] : memref<2048xi32, #tpu.memory_space<smem>>
        %dma_start3A_193 = arith.constant 0 : i32
        %dma_start3A_194 = arith.constant 0 : i32
        %dma_start3A_195 = tpu.memref_slice %arg9[%dma_start3A_194] : memref<2x!tpu.dma_semaphore, #tpu.memory_space<semaphore_mem>> -> memref<1x!tpu.dma_semaphore, #tpu.memory_space<semaphore_mem>>
        %dma_start3A_196 = tpu.memref_squeeze %dma_start3A_195 : memref<1x!tpu.dma_semaphore, #tpu.memory_space<semaphore_mem>> -> memref<!tpu.dma_semaphore, #tpu.memory_space<semaphore_mem>>
        %dma_start3A_197 = arith.constant 0 : i32
        %dma_start3A_198 = tpu.memref_slice %arg7[%dma_start3A_193, %scan3A_188, %dma_start3A_197] : memref<2x256x10000xf32, #tpu.memory_space<vmem>> -> memref<1x1x10000xf32, #tpu.memory_space<vmem>>
        %dma_start3A_199 = tpu.memref_squeeze %dma_start3A_198 : memref<1x1x10000xf32, #tpu.memory_space<vmem>> -> memref<1x10000xf32, #tpu.memory_space<vmem>>
        %dma_start3A_200 = arith.constant 0 : i32
        %dma_start3A_201 = tpu.memref_slice %arg2[%get3A_192, %dma_start3A_200] : memref<10000x10000xf32, #tpu.memory_space<hbm>> -> memref<1x10000xf32, #tpu.memory_space<hbm>>
        tpu.enqueue_dma source(%dma_start3A_201 : memref<1x10000xf32, #tpu.memory_space<hbm>>) target(%dma_start3A_199 : memref<1x10000xf32, #tpu.memory_space<vmem>>) target_semaphore(%dma_start3A_196 : memref<!tpu.dma_semaphore, #tpu.memory_space<semaphore_mem>>)
        %scan3A_202 = arith.constant 7 : i32
        %scan3A_203 = arith.addi %scan3A_99, %scan3A_202 : i32
        %add3A_204 = arith.constant 0 : i32
        %add3A_205 = arith.addi %add3A_204, %scan3A_203 : i32
        %get3A_206 = arith.index_cast %add3A_205 : i32 to index
        %get3A_207 = memref.load %arg1[%get3A_206] : memref<2048xi32, #tpu.memory_space<smem>>
        %dma_start3A_208 = arith.constant 0 : i32
        %dma_start3A_209 = arith.constant 0 : i32
        %dma_start3A_210 = tpu.memref_slice %arg9[%dma_start3A_209] : memref<2x!tpu.dma_semaphore, #tpu.memory_space<semaphore_mem>> -> memref<1x!tpu.dma_semaphore, #tpu.memory_space<semaphore_mem>>
        %dma_start3A_211 = tpu.memref_squeeze %dma_start3A_210 : memref<1x!tpu.dma_semaphore, #tpu.memory_space<semaphore_mem>> -> memref<!tpu.dma_semaphore, #tpu.memory_space<semaphore_mem>>
        %dma_start3A_212 = arith.constant 0 : i32
        %dma_start3A_213 = tpu.memref_slice %arg7[%dma_start3A_208, %scan3A_203, %dma_start3A_212] : memref<2x256x10000xf32, #tpu.memory_space<vmem>> -> memref<1x1x10000xf32, #tpu.memory_space<vmem>>
        %dma_start3A_214 = tpu.memref_squeeze %dma_start3A_213 : memref<1x1x10000xf32, #tpu.memory_space<vmem>> -> memref<1x10000xf32, #tpu.memory_space<vmem>>
        %dma_start3A_215 = arith.constant 0 : i32
        %dma_start3A_216 = tpu.memref_slice %arg2[%get3A_207, %dma_start3A_215] : memref<10000x10000xf32, #tpu.memory_space<hbm>> -> memref<1x10000xf32, #tpu.memory_space<hbm>>
        tpu.enqueue_dma source(%dma_start3A_216 : memref<1x10000xf32, #tpu.memory_space<hbm>>) target(%dma_start3A_214 : memref<1x10000xf32, #tpu.memory_space<vmem>>) target_semaphore(%dma_start3A_211 : memref<!tpu.dma_semaphore, #tpu.memory_space<semaphore_mem>>)
      }
      %scan3A_98 = arith.constant 256 : i32
    } else {
    }
    %add3A = arith.constant 1 : i32
    %add3A_2 = arith.addi %arg0, %add3A : i32
    %lt3A = arith.constant 8 : i32
    %lt3A_3 = arith.cmpi slt, %add3A_2, %lt3A : i32
    %convert_element_type3A_4 = arith.extui %lt3A_3 : i1 to i32
    %cond3A_5 = arith.constant 0 : i32
    %cond3A_6 = arith.cmpi ne, %convert_element_type3A_4, %cond3A_5 : i32
    scf.if %cond3A_6 {
      %add3A_90 = arith.constant 1 : i32
      %add3A_91 = arith.addi %arg0, %add3A_90 : i32
      %jit3A_92 = arith.constant 2 : i32
      %eq3A_93 = arith.constant 0 : i32
      %eq3A_94 = arith.cmpi eq, %jit3A_92, %eq3A_93 : i32
      %jit3A_95 = arith.constant 1 : i32
      %select_n3A_96 = arith.select %eq3A_94, %jit3A_95, %jit3A_92 : i32
      %rem3A_97 = arith.remsi %add3A_91, %select_n3A_96 : i32
      %ne3A_98 = arith.constant 0 : i32
      %ne3A_99 = arith.cmpi ne, %rem3A_97, %ne3A_98 : i32
      %lt3A_100 = arith.constant 0 : i32
      %lt3A_101 = arith.cmpi slt, %rem3A_97, %lt3A_100 : i32
      %lt3A_102 = arith.constant 0 : i32
      %lt3A_103 = arith.cmpi slt, %select_n3A_96, %lt3A_102 : i32
      %ne3A_104 = arith.xori %lt3A_101, %lt3A_103 : i1
      %and3A_105 = arith.andi %ne3A_104, %ne3A_99 : i1
      %add3A_106 = arith.addi %rem3A_97, %select_n3A_96 : i32
      %select_n3A_107 = arith.select %and3A_105, %add3A_106, %rem3A_97 : i32
      %add3A_108 = arith.constant 1 : i32
      %add3A_109 = arith.addi %arg0, %add3A_108 : i32
      %scan3A_110 = arith.constant 0 : i32
      %scan3A_111 = arith.constant 256 : i32
      %scan3A_112 = arith.addi %scan3A_110, %scan3A_111 : i32
      %scan3A_113 = arith.constant 8 : i32
      scf.for %scan3A_115 = %scan3A_110 to %scan3A_112 step %scan3A_113  : i32 {
        %mul3A_116 = arith.constant 256 : i32
        %mul3A_117 = arith.muli %add3A_109, %mul3A_116 : i32
        %add3A_118 = arith.addi %mul3A_117, %scan3A_115 : i32
        %get3A_119 = arith.index_cast %add3A_118 : i32 to index
        %get3A_120 = memref.load %arg1[%get3A_119] : memref<2048xi32, #tpu.memory_space<smem>>
        %dma_start3A = tpu.memref_slice %arg9[%select_n3A_107] : memref<2x!tpu.dma_semaphore, #tpu.memory_space<semaphore_mem>> -> memref<1x!tpu.dma_semaphore, #tpu.memory_space<semaphore_mem>>
        %dma_start3A_121 = tpu.memref_squeeze %dma_start3A : memref<1x!tpu.dma_semaphore, #tpu.memory_space<semaphore_mem>> -> memref<!tpu.dma_semaphore, #tpu.memory_space<semaphore_mem>>
        %dma_start3A_122 = arith.constant 0 : i32
        %dma_start3A_123 = tpu.memref_slice %arg7[%select_n3A_107, %scan3A_115, %dma_start3A_122] : memref<2x256x10000xf32, #tpu.memory_space<vmem>> -> memref<1x1x10000xf32, #tpu.memory_space<vmem>>
        %dma_start3A_124 = tpu.memref_squeeze %dma_start3A_123 : memref<1x1x10000xf32, #tpu.memory_space<vmem>> -> memref<1x10000xf32, #tpu.memory_space<vmem>>
        %dma_start3A_125 = arith.constant 0 : i32
        %dma_start3A_126 = tpu.memref_slice %arg2[%get3A_120, %dma_start3A_125] : memref<10000x10000xf32, #tpu.memory_space<hbm>> -> memref<1x10000xf32, #tpu.memory_space<hbm>>
        tpu.enqueue_dma source(%dma_start3A_126 : memref<1x10000xf32, #tpu.memory_space<hbm>>) target(%dma_start3A_124 : memref<1x10000xf32, #tpu.memory_space<vmem>>) target_semaphore(%dma_start3A_121 : memref<!tpu.dma_semaphore, #tpu.memory_space<semaphore_mem>>)
        %scan3A_127 = arith.constant 1 : i32
        %scan3A_128 = arith.addi %scan3A_115, %scan3A_127 : i32
        %mul3A_129 = arith.constant 256 : i32
        %mul3A_130 = arith.muli %add3A_109, %mul3A_129 : i32
        %add3A_131 = arith.addi %mul3A_130, %scan3A_128 : i32
        %get3A_132 = arith.index_cast %add3A_131 : i32 to index
        %get3A_133 = memref.load %arg1[%get3A_132] : memref<2048xi32, #tpu.memory_space<smem>>
        %dma_start3A_134 = tpu.memref_slice %arg9[%select_n3A_107] : memref<2x!tpu.dma_semaphore, #tpu.memory_space<semaphore_mem>> -> memref<1x!tpu.dma_semaphore, #tpu.memory_space<semaphore_mem>>
        %dma_start3A_135 = tpu.memref_squeeze %dma_start3A_134 : memref<1x!tpu.dma_semaphore, #tpu.memory_space<semaphore_mem>> -> memref<!tpu.dma_semaphore, #tpu.memory_space<semaphore_mem>>
        %dma_start3A_136 = arith.constant 0 : i32
        %dma_start3A_137 = tpu.memref_slice %arg7[%select_n3A_107, %scan3A_128, %dma_start3A_136] : memref<2x256x10000xf32, #tpu.memory_space<vmem>> -> memref<1x1x10000xf32, #tpu.memory_space<vmem>>
        %dma_start3A_138 = tpu.memref_squeeze %dma_start3A_137 : memref<1x1x10000xf32, #tpu.memory_space<vmem>> -> memref<1x10000xf32, #tpu.memory_space<vmem>>
        %dma_start3A_139 = arith.constant 0 : i32
        %dma_start3A_140 = tpu.memref_slice %arg2[%get3A_133, %dma_start3A_139] : memref<10000x10000xf32, #tpu.memory_space<hbm>> -> memref<1x10000xf32, #tpu.memory_space<hbm>>
        tpu.enqueue_dma source(%dma_start3A_140 : memref<1x10000xf32, #tpu.memory_space<hbm>>) target(%dma_start3A_138 : memref<1x10000xf32, #tpu.memory_space<vmem>>) target_semaphore(%dma_start3A_135 : memref<!tpu.dma_semaphore, #tpu.memory_space<semaphore_mem>>)
        %scan3A_141 = arith.constant 2 : i32
        %scan3A_142 = arith.addi %scan3A_115, %scan3A_141 : i32
        %mul3A_143 = arith.constant 256 : i32
        %mul3A_144 = arith.muli %add3A_109, %mul3A_143 : i32
        %add3A_145 = arith.addi %mul3A_144, %scan3A_142 : i32
        %get3A_146 = arith.index_cast %add3A_145 : i32 to index
        %get3A_147 = memref.load %arg1[%get3A_146] : memref<2048xi32, #tpu.memory_space<smem>>
        %dma_start3A_148 = tpu.memref_slice %arg9[%select_n3A_107] : memref<2x!tpu.dma_semaphore, #tpu.memory_space<semaphore_mem>> -> memref<1x!tpu.dma_semaphore, #tpu.memory_space<semaphore_mem>>
        %dma_start3A_149 = tpu.memref_squeeze %dma_start3A_148 : memref<1x!tpu.dma_semaphore, #tpu.memory_space<semaphore_mem>> -> memref<!tpu.dma_semaphore, #tpu.memory_space<semaphore_mem>>
        %dma_start3A_150 = arith.constant 0 : i32
        %dma_start3A_151 = tpu.memref_slice %arg7[%select_n3A_107, %scan3A_142, %dma_start3A_150] : memref<2x256x10000xf32, #tpu.memory_space<vmem>> -> memref<1x1x10000xf32, #tpu.memory_space<vmem>>
        %dma_start3A_152 = tpu.memref_squeeze %dma_start3A_151 : memref<1x1x10000xf32, #tpu.memory_space<vmem>> -> memref<1x10000xf32, #tpu.memory_space<vmem>>
        %dma_start3A_153 = arith.constant 0 : i32
        %dma_start3A_154 = tpu.memref_slice %arg2[%get3A_147, %dma_start3A_153] : memref<10000x10000xf32, #tpu.memory_space<hbm>> -> memref<1x10000xf32, #tpu.memory_space<hbm>>
        tpu.enqueue_dma source(%dma_start3A_154 : memref<1x10000xf32, #tpu.memory_space<hbm>>) target(%dma_start3A_152 : memref<1x10000xf32, #tpu.memory_space<vmem>>) target_semaphore(%dma_start3A_149 : memref<!tpu.dma_semaphore, #tpu.memory_space<semaphore_mem>>)
        %scan3A_155 = arith.constant 3 : i32
        %scan3A_156 = arith.addi %scan3A_115, %scan3A_155 : i32
        %mul3A_157 = arith.constant 256 : i32
        %mul3A_158 = arith.muli %add3A_109, %mul3A_157 : i32
        %add3A_159 = arith.addi %mul3A_158, %scan3A_156 : i32
        %get3A_160 = arith.index_cast %add3A_159 : i32 to index
        %get3A_161 = memref.load %arg1[%get3A_160] : memref<2048xi32, #tpu.memory_space<smem>>
        %dma_start3A_162 = tpu.memref_slice %arg9[%select_n3A_107] : memref<2x!tpu.dma_semaphore, #tpu.memory_space<semaphore_mem>> -> memref<1x!tpu.dma_semaphore, #tpu.memory_space<semaphore_mem>>
        %dma_start3A_163 = tpu.memref_squeeze %dma_start3A_162 : memref<1x!tpu.dma_semaphore, #tpu.memory_space<semaphore_mem>> -> memref<!tpu.dma_semaphore, #tpu.memory_space<semaphore_mem>>
        %dma_start3A_164 = arith.constant 0 : i32
        %dma_start3A_165 = tpu.memref_slice %arg7[%select_n3A_107, %scan3A_156, %dma_start3A_164] : memref<2x256x10000xf32, #tpu.memory_space<vmem>> -> memref<1x1x10000xf32, #tpu.memory_space<vmem>>
        %dma_start3A_166 = tpu.memref_squeeze %dma_start3A_165 : memref<1x1x10000xf32, #tpu.memory_space<vmem>> -> memref<1x10000xf32, #tpu.memory_space<vmem>>
        %dma_start3A_167 = arith.constant 0 : i32
        %dma_start3A_168 = tpu.memref_slice %arg2[%get3A_161, %dma_start3A_167] : memref<10000x10000xf32, #tpu.memory_space<hbm>> -> memref<1x10000xf32, #tpu.memory_space<hbm>>
        tpu.enqueue_dma source(%dma_start3A_168 : memref<1x10000xf32, #tpu.memory_space<hbm>>) target(%dma_start3A_166 : memref<1x10000xf32, #tpu.memory_space<vmem>>) target_semaphore(%dma_start3A_163 : memref<!tpu.dma_semaphore, #tpu.memory_space<semaphore_mem>>)
        %scan3A_169 = arith.constant 4 : i32
        %scan3A_170 = arith.addi %scan3A_115, %scan3A_169 : i32
        %mul3A_171 = arith.constant 256 : i32
        %mul3A_172 = arith.muli %add3A_109, %mul3A_171 : i32
        %add3A_173 = arith.addi %mul3A_172, %scan3A_170 : i32
        %get3A_174 = arith.index_cast %add3A_173 : i32 to index
        %get3A_175 = memref.load %arg1[%get3A_174] : memref<2048xi32, #tpu.memory_space<smem>>
        %dma_start3A_176 = tpu.memref_slice %arg9[%select_n3A_107] : memref<2x!tpu.dma_semaphore, #tpu.memory_space<semaphore_mem>> -> memref<1x!tpu.dma_semaphore, #tpu.memory_space<semaphore_mem>>
        %dma_start3A_177 = tpu.memref_squeeze %dma_start3A_176 : memref<1x!tpu.dma_semaphore, #tpu.memory_space<semaphore_mem>> -> memref<!tpu.dma_semaphore, #tpu.memory_space<semaphore_mem>>
        %dma_start3A_178 = arith.constant 0 : i32
        %dma_start3A_179 = tpu.memref_slice %arg7[%select_n3A_107, %scan3A_170, %dma_start3A_178] : memref<2x256x10000xf32, #tpu.memory_space<vmem>> -> memref<1x1x10000xf32, #tpu.memory_space<vmem>>
        %dma_start3A_180 = tpu.memref_squeeze %dma_start3A_179 : memref<1x1x10000xf32, #tpu.memory_space<vmem>> -> memref<1x10000xf32, #tpu.memory_space<vmem>>
        %dma_start3A_181 = arith.constant 0 : i32
        %dma_start3A_182 = tpu.memref_slice %arg2[%get3A_175, %dma_start3A_181] : memref<10000x10000xf32, #tpu.memory_space<hbm>> -> memref<1x10000xf32, #tpu.memory_space<hbm>>
        tpu.enqueue_dma source(%dma_start3A_182 : memref<1x10000xf32, #tpu.memory_space<hbm>>) target(%dma_start3A_180 : memref<1x10000xf32, #tpu.memory_space<vmem>>) target_semaphore(%dma_start3A_177 : memref<!tpu.dma_semaphore, #tpu.memory_space<semaphore_mem>>)
        %scan3A_183 = arith.constant 5 : i32
        %scan3A_184 = arith.addi %scan3A_115, %scan3A_183 : i32
        %mul3A_185 = arith.constant 256 : i32
        %mul3A_186 = arith.muli %add3A_109, %mul3A_185 : i32
        %add3A_187 = arith.addi %mul3A_186, %scan3A_184 : i32
        %get3A_188 = arith.index_cast %add3A_187 : i32 to index
        %get3A_189 = memref.load %arg1[%get3A_188] : memref<2048xi32, #tpu.memory_space<smem>>
        %dma_start3A_190 = tpu.memref_slice %arg9[%select_n3A_107] : memref<2x!tpu.dma_semaphore, #tpu.memory_space<semaphore_mem>> -> memref<1x!tpu.dma_semaphore, #tpu.memory_space<semaphore_mem>>
        %dma_start3A_191 = tpu.memref_squeeze %dma_start3A_190 : memref<1x!tpu.dma_semaphore, #tpu.memory_space<semaphore_mem>> -> memref<!tpu.dma_semaphore, #tpu.memory_space<semaphore_mem>>
        %dma_start3A_192 = arith.constant 0 : i32
        %dma_start3A_193 = tpu.memref_slice %arg7[%select_n3A_107, %scan3A_184, %dma_start3A_192] : memref<2x256x10000xf32, #tpu.memory_space<vmem>> -> memref<1x1x10000xf32, #tpu.memory_space<vmem>>
        %dma_start3A_194 = tpu.memref_squeeze %dma_start3A_193 : memref<1x1x10000xf32, #tpu.memory_space<vmem>> -> memref<1x10000xf32, #tpu.memory_space<vmem>>
        %dma_start3A_195 = arith.constant 0 : i32
        %dma_start3A_196 = tpu.memref_slice %arg2[%get3A_189, %dma_start3A_195] : memref<10000x10000xf32, #tpu.memory_space<hbm>> -> memref<1x10000xf32, #tpu.memory_space<hbm>>
        tpu.enqueue_dma source(%dma_start3A_196 : memref<1x10000xf32, #tpu.memory_space<hbm>>) target(%dma_start3A_194 : memref<1x10000xf32, #tpu.memory_space<vmem>>) target_semaphore(%dma_start3A_191 : memref<!tpu.dma_semaphore, #tpu.memory_space<semaphore_mem>>)
        %scan3A_197 = arith.constant 6 : i32
        %scan3A_198 = arith.addi %scan3A_115, %scan3A_197 : i32
        %mul3A_199 = arith.constant 256 : i32
        %mul3A_200 = arith.muli %add3A_109, %mul3A_199 : i32
        %add3A_201 = arith.addi %mul3A_200, %scan3A_198 : i32
        %get3A_202 = arith.index_cast %add3A_201 : i32 to index
        %get3A_203 = memref.load %arg1[%get3A_202] : memref<2048xi32, #tpu.memory_space<smem>>
        %dma_start3A_204 = tpu.memref_slice %arg9[%select_n3A_107] : memref<2x!tpu.dma_semaphore, #tpu.memory_space<semaphore_mem>> -> memref<1x!tpu.dma_semaphore, #tpu.memory_space<semaphore_mem>>
        %dma_start3A_205 = tpu.memref_squeeze %dma_start3A_204 : memref<1x!tpu.dma_semaphore, #tpu.memory_space<semaphore_mem>> -> memref<!tpu.dma_semaphore, #tpu.memory_space<semaphore_mem>>
        %dma_start3A_206 = arith.constant 0 : i32
        %dma_start3A_207 = tpu.memref_slice %arg7[%select_n3A_107, %scan3A_198, %dma_start3A_206] : memref<2x256x10000xf32, #tpu.memory_space<vmem>> -> memref<1x1x10000xf32, #tpu.memory_space<vmem>>
        %dma_start3A_208 = tpu.memref_squeeze %dma_start3A_207 : memref<1x1x10000xf32, #tpu.memory_space<vmem>> -> memref<1x10000xf32, #tpu.memory_space<vmem>>
        %dma_start3A_209 = arith.constant 0 : i32
        %dma_start3A_210 = tpu.memref_slice %arg2[%get3A_203, %dma_start3A_209] : memref<10000x10000xf32, #tpu.memory_space<hbm>> -> memref<1x10000xf32, #tpu.memory_space<hbm>>
        tpu.enqueue_dma source(%dma_start3A_210 : memref<1x10000xf32, #tpu.memory_space<hbm>>) target(%dma_start3A_208 : memref<1x10000xf32, #tpu.memory_space<vmem>>) target_semaphore(%dma_start3A_205 : memref<!tpu.dma_semaphore, #tpu.memory_space<semaphore_mem>>)
        %scan3A_211 = arith.constant 7 : i32
        %scan3A_212 = arith.addi %scan3A_115, %scan3A_211 : i32
        %mul3A_213 = arith.constant 256 : i32
        %mul3A_214 = arith.muli %add3A_109, %mul3A_213 : i32
        %add3A_215 = arith.addi %mul3A_214, %scan3A_212 : i32
        %get3A_216 = arith.index_cast %add3A_215 : i32 to index
        %get3A_217 = memref.load %arg1[%get3A_216] : memref<2048xi32, #tpu.memory_space<smem>>
        %dma_start3A_218 = tpu.memref_slice %arg9[%select_n3A_107] : memref<2x!tpu.dma_semaphore, #tpu.memory_space<semaphore_mem>> -> memref<1x!tpu.dma_semaphore, #tpu.memory_space<semaphore_mem>>
        %dma_start3A_219 = tpu.memref_squeeze %dma_start3A_218 : memref<1x!tpu.dma_semaphore, #tpu.memory_space<semaphore_mem>> -> memref<!tpu.dma_semaphore, #tpu.memory_space<semaphore_mem>>
        %dma_start3A_220 = arith.constant 0 : i32
        %dma_start3A_221 = tpu.memref_slice %arg7[%select_n3A_107, %scan3A_212, %dma_start3A_220] : memref<2x256x10000xf32, #tpu.memory_space<vmem>> -> memref<1x1x10000xf32, #tpu.memory_space<vmem>>
        %dma_start3A_222 = tpu.memref_squeeze %dma_start3A_221 : memref<1x1x10000xf32, #tpu.memory_space<vmem>> -> memref<1x10000xf32, #tpu.memory_space<vmem>>
        %dma_start3A_223 = arith.constant 0 : i32
        %dma_start3A_224 = tpu.memref_slice %arg2[%get3A_217, %dma_start3A_223] : memref<10000x10000xf32, #tpu.memory_space<hbm>> -> memref<1x10000xf32, #tpu.memory_space<hbm>>
        tpu.enqueue_dma source(%dma_start3A_224 : memref<1x10000xf32, #tpu.memory_space<hbm>>) target(%dma_start3A_222 : memref<1x10000xf32, #tpu.memory_space<vmem>>) target_semaphore(%dma_start3A_219 : memref<!tpu.dma_semaphore, #tpu.memory_space<semaphore_mem>>)
      }
      %scan3A_114 = arith.constant 256 : i32
    } else {
    }
    %jit3A = arith.constant 2 : i32
    %eq3A_7 = arith.constant 0 : i32
    %eq3A_8 = arith.cmpi eq, %jit3A, %eq3A_7 : i32
    %jit3A_9 = arith.constant 1 : i32
    %select_n3A = arith.select %eq3A_8, %jit3A_9, %jit3A : i32
    %rem3A = arith.remsi %arg0, %select_n3A : i32
    %ne3A = arith.constant 0 : i32
    %ne3A_10 = arith.cmpi ne, %rem3A, %ne3A : i32
    %lt3A_11 = arith.constant 0 : i32
    %lt3A_12 = arith.cmpi slt, %rem3A, %lt3A_11 : i32
    %lt3A_13 = arith.constant 0 : i32
    %lt3A_14 = arith.cmpi slt, %select_n3A, %lt3A_13 : i32
    %ne3A_15 = arith.xori %lt3A_12, %lt3A_14 : i1
    %and3A = arith.andi %ne3A_15, %ne3A_10 : i1
    %add3A_16 = arith.addi %rem3A, %select_n3A : i32
    %select_n3A_17 = arith.select %and3A, %add3A_16, %rem3A : i32
    %jit3A_18 = arith.constant 2 : i32
    %eq3A_19 = arith.constant 0 : i32
    %eq3A_20 = arith.cmpi eq, %jit3A_18, %eq3A_19 : i32
    %jit3A_21 = arith.constant 1 : i32
    %select_n3A_22 = arith.select %eq3A_20, %jit3A_21, %jit3A_18 : i32
    %rem3A_23 = arith.remsi %arg0, %select_n3A_22 : i32
    %ne3A_24 = arith.constant 0 : i32
    %ne3A_25 = arith.cmpi ne, %rem3A_23, %ne3A_24 : i32
    %lt3A_26 = arith.constant 0 : i32
    %lt3A_27 = arith.cmpi slt, %rem3A_23, %lt3A_26 : i32
    %lt3A_28 = arith.constant 0 : i32
    %lt3A_29 = arith.cmpi slt, %select_n3A_22, %lt3A_28 : i32
    %ne3A_30 = arith.xori %lt3A_27, %lt3A_29 : i1
    %and3A_31 = arith.andi %ne3A_30, %ne3A_25 : i1
    %add3A_32 = arith.addi %rem3A_23, %select_n3A_22 : i32
    %select_n3A_33 = arith.select %and3A_31, %add3A_32, %rem3A_23 : i32
    %dma_wait3A = tpu.memref_slice %arg9[%select_n3A_33] : memref<2x!tpu.dma_semaphore, #tpu.memory_space<semaphore_mem>> -> memref<1x!tpu.dma_semaphore, #tpu.memory_space<semaphore_mem>>
    %dma_wait3A_34 = tpu.memref_squeeze %dma_wait3A : memref<1x!tpu.dma_semaphore, #tpu.memory_space<semaphore_mem>> -> memref<!tpu.dma_semaphore, #tpu.memory_space<semaphore_mem>>
    %dma_wait3A_35 = arith.constant 0 : i32
    %dma_wait3A_36 = arith.constant 0 : i32
    %dma_wait3A_37 = tpu.memref_slice %arg7[%select_n3A_17, %dma_wait3A_35, %dma_wait3A_36] : memref<2x256x10000xf32, #tpu.memory_space<vmem>> -> memref<1x256x10000xf32, #tpu.memory_space<vmem>>
    %dma_wait3A_38 = tpu.memref_squeeze %dma_wait3A_37 : memref<1x256x10000xf32, #tpu.memory_space<vmem>> -> memref<256x10000xf32, #tpu.memory_space<vmem>>
    %dma_wait3A_39 = arith.constant 0 : i32
    %dma_wait3A_40 = arith.constant 0 : i32
    %dma_wait3A_41 = tpu.memref_slice %arg2[%dma_wait3A_39, %dma_wait3A_40] : memref<10000x10000xf32, #tpu.memory_space<hbm>> -> memref<256x10000xf32, #tpu.memory_space<hbm>>
    tpu.wait_dma2 semaphore(%dma_wait3A_34 : memref<!tpu.dma_semaphore, #tpu.memory_space<semaphore_mem>>) src(%dma_wait3A_41 : memref<256x10000xf32, #tpu.memory_space<hbm>>) dst(%dma_wait3A_38 : memref<256x10000xf32, #tpu.memory_space<vmem>>)
    %jit3A_42 = arith.constant 2 : i32
    %eq3A_43 = arith.constant 0 : i32
    %eq3A_44 = arith.cmpi eq, %jit3A_42, %eq3A_43 : i32
    %jit3A_45 = arith.constant 1 : i32
    %select_n3A_46 = arith.select %eq3A_44, %jit3A_45, %jit3A_42 : i32
    %rem3A_47 = arith.remsi %arg0, %select_n3A_46 : i32
    %ne3A_48 = arith.constant 0 : i32
    %ne3A_49 = arith.cmpi ne, %rem3A_47, %ne3A_48 : i32
    %lt3A_50 = arith.constant 0 : i32
    %lt3A_51 = arith.cmpi slt, %rem3A_47, %lt3A_50 : i32
    %lt3A_52 = arith.constant 0 : i32
    %lt3A_53 = arith.cmpi slt, %select_n3A_46, %lt3A_52 : i32
    %ne3A_54 = arith.xori %lt3A_51, %lt3A_53 : i1
    %and3A_55 = arith.andi %ne3A_54, %ne3A_49 : i1
    %add3A_56 = arith.addi %rem3A_47, %select_n3A_46 : i32
    %select_n3A_57 = arith.select %and3A_55, %add3A_56, %rem3A_47 : i32
    %get3A = arith.index_cast %select_n3A_57 : i32 to index
    %get3A_58 = arith.constant 0 : index
    %get3A_59 = arith.constant 0 : index
    %get3A_60 = vector.load %arg7[%get3A, %get3A_58, %get3A_59] : memref<2x256x10000xf32, #tpu.memory_space<vmem>>, vector<1x256x10000xf32>
    %get3A_61 = vector.shape_cast %get3A_60 : vector<1x256x10000xf32> to vector<256x10000xf32>
    %convert_element_type3A_62 = arith.truncf %get3A_61 : vector<256x10000xf32> to vector<256x10000xbf16>
    %get3A_63 = arith.constant 0 : index
    %get3A_64 = arith.constant 0 : index
    %get3A_65 = vector.load %arg3[%get3A_63, %get3A_64] : memref<10000x128xbf16, #tpu.memory_space<vmem>>, vector<10000x128xbf16>
    %dot_general3A = arith.constant dense<0.000000e+00> : vector<256x128xf32>
    %dot_general3A_66 = tpu.matmul %convert_element_type3A_62, %get3A_65, %dot_general3A {dimension_numbers = #tpu.dot_dimension_numbers<[1], [0], [0], [1], [0, 0, 1, 1], [], []>, transpose_lhs_hint = false} : vector<256x10000xbf16>, vector<10000x128xbf16>, vector<256x128xf32> -> vector<256x128xf32>
    %max3A = arith.constant 0.000000e+00 : f32
    %max3A_67 = vector.broadcast %max3A : f32 to vector<256x128xf32>
    %max3A_68 = arith.maximumf %dot_general3A_66, %max3A_67 : vector<256x128xf32>
    %get3A_69 = arith.constant 0 : index
    %get3A_70 = arith.constant 0 : index
    %get3A_71 = vector.load %arg4[%get3A_69, %get3A_70] : memref<128x128xf32, #tpu.memory_space<vmem>>, vector<128x128xf32>
    %dot_general3A_72 = arith.constant dense<0.000000e+00> : vector<256x128xf32>
    %dot_general3A_73 = tpu.matmul %max3A_68, %get3A_71, %dot_general3A_72 {dimension_numbers = #tpu.dot_dimension_numbers<[1], [0], [0], [1], [0, 0, 1, 1], [], []>, transpose_lhs_hint = false} : vector<256x128xf32>, vector<128x128xf32>, vector<256x128xf32> -> vector<256x128xf32>
    %get3A_74 = arith.constant 0 : index
    %get3A_75 = arith.constant 0 : index
    %get3A_76 = vector.load %arg5[%get3A_74, %get3A_75] : memref<1x128xf32, #tpu.memory_space<vmem>>, vector<1x128xf32>
    %add3A_77 = vector.broadcast %get3A_76 : vector<1x128xf32> to vector<256x128xf32>
    %add3A_78 = arith.addf %dot_general3A_73, %add3A_77 : vector<256x128xf32>
    %max3A_79 = arith.constant 0.000000e+00 : f32
    %max3A_80 = vector.broadcast %max3A_79 : f32 to vector<256x128xf32>
    %max3A_81 = arith.maximumf %add3A_78, %max3A_80 : vector<256x128xf32>
    %mul3A = arith.constant 4.8828125 : f32
    %mul3A_82 = vector.broadcast %mul3A : f32 to vector<256x128xf32>
    %mul3A_83 = arith.mulf %max3A_81, %mul3A_82 : vector<256x128xf32>
    %swap3A = arith.constant 0 : index
    %swap3A_84 = arith.constant 0 : index
    %swap3A_85 = vector.load %arg8[%swap3A, %swap3A_84] : memref<256x128xf32, #tpu.memory_space<vmem>>, vector<256x128xf32>
    tpu.vector_store %arg8[%swap3A, %swap3A_84], %mul3A_83 {strides = array<i32>} : memref<256x128xf32, #tpu.memory_space<vmem>>, vector<256x128xf32>,
    %scan3A = arith.constant 0 : i32
    %scan3A_86 = arith.constant 256 : i32
    %scan3A_87 = arith.addi %scan3A, %scan3A_86 : i32
    %scan3A_88 = arith.constant 8 : i32
    scf.for %scan3A_90 = %scan3A to %scan3A_87 step %scan3A_88  : i32 {
      %mul3A_91 = arith.constant 256 : i32
      %mul3A_92 = arith.muli %arg0, %mul3A_91 : i32
      %add3A_93 = arith.addi %mul3A_92, %scan3A_90 : i32
      %get3A_94 = arith.index_cast %add3A_93 : i32 to index
      %get3A_95 = memref.load %arg1[%get3A_94] : memref<2048xi32, #tpu.memory_space<smem>>
      %get3A_96 = arith.index_cast %get3A_95 : i32 to index
      %get3A_97 = arith.constant 0 : index
      %get3A_98 = vector.load %arg6[%get3A_96, %get3A_97] : memref<10000x128xf32, #tpu.memory_space<vmem>>, vector<1x128xf32>
      %get3A_99 = arith.index_cast %scan3A_90 : i32 to index
      %get3A_100 = arith.constant 0 : index
      %get3A_101 = vector.load %arg8[%get3A_99, %get3A_100] : memref<256x128xf32, #tpu.memory_space<vmem>>, vector<1x128xf32>
      %add3A_102 = arith.addf %get3A_98, %get3A_101 : vector<1x128xf32>
      %swap3A_103 = arith.index_cast %get3A_95 : i32 to index
      %swap3A_104 = arith.constant 0 : index
      %swap3A_105 = vector.load %arg6[%swap3A_103, %swap3A_104] : memref<10000x128xf32, #tpu.memory_space<vmem>>, vector<1x128xf32>
      tpu.vector_store %arg6[%swap3A_103, %swap3A_104], %add3A_102 {strides = array<i32>} : memref<10000x128xf32, #tpu.memory_space<vmem>>, vector<1x128xf32>,
      %scan3A_106 = arith.constant 1 : i32
      %scan3A_107 = arith.addi %scan3A_90, %scan3A_106 : i32
      %mul3A_108 = arith.constant 256 : i32
      %mul3A_109 = arith.muli %arg0, %mul3A_108 : i32
      %add3A_110 = arith.addi %mul3A_109, %scan3A_107 : i32
      %get3A_111 = arith.index_cast %add3A_110 : i32 to index
      %get3A_112 = memref.load %arg1[%get3A_111] : memref<2048xi32, #tpu.memory_space<smem>>
      %get3A_113 = arith.index_cast %get3A_112 : i32 to index
      %get3A_114 = arith.constant 0 : index
      %get3A_115 = vector.load %arg6[%get3A_113, %get3A_114] : memref<10000x128xf32, #tpu.memory_space<vmem>>, vector<1x128xf32>
      %get3A_116 = arith.index_cast %scan3A_107 : i32 to index
      %get3A_117 = arith.constant 0 : index
      %get3A_118 = vector.load %arg8[%get3A_116, %get3A_117] : memref<256x128xf32, #tpu.memory_space<vmem>>, vector<1x128xf32>
      %add3A_119 = arith.addf %get3A_115, %get3A_118 : vector<1x128xf32>
      %swap3A_120 = arith.index_cast %get3A_112 : i32 to index
      %swap3A_121 = arith.constant 0 : index
      %swap3A_122 = vector.load %arg6[%swap3A_120, %swap3A_121] : memref<10000x128xf32, #tpu.memory_space<vmem>>, vector<1x128xf32>
      tpu.vector_store %arg6[%swap3A_120, %swap3A_121], %add3A_119 {strides = array<i32>} : memref<10000x128xf32, #tpu.memory_space<vmem>>, vector<1x128xf32>,
      %scan3A_123 = arith.constant 2 : i32
      %scan3A_124 = arith.addi %scan3A_90, %scan3A_123 : i32
      %mul3A_125 = arith.constant 256 : i32
      %mul3A_126 = arith.muli %arg0, %mul3A_125 : i32
      %add3A_127 = arith.addi %mul3A_126, %scan3A_124 : i32
      %get3A_128 = arith.index_cast %add3A_127 : i32 to index
      %get3A_129 = memref.load %arg1[%get3A_128] : memref<2048xi32, #tpu.memory_space<smem>>
      %get3A_130 = arith.index_cast %get3A_129 : i32 to index
      %get3A_131 = arith.constant 0 : index
      %get3A_132 = vector.load %arg6[%get3A_130, %get3A_131] : memref<10000x128xf32, #tpu.memory_space<vmem>>, vector<1x128xf32>
      %get3A_133 = arith.index_cast %scan3A_124 : i32 to index
      %get3A_134 = arith.constant 0 : index
      %get3A_135 = vector.load %arg8[%get3A_133, %get3A_134] : memref<256x128xf32, #tpu.memory_space<vmem>>, vector<1x128xf32>
      %add3A_136 = arith.addf %get3A_132, %get3A_135 : vector<1x128xf32>
      %swap3A_137 = arith.index_cast %get3A_129 : i32 to index
      %swap3A_138 = arith.constant 0 : index
      %swap3A_139 = vector.load %arg6[%swap3A_137, %swap3A_138] : memref<10000x128xf32, #tpu.memory_space<vmem>>, vector<1x128xf32>
      tpu.vector_store %arg6[%swap3A_137, %swap3A_138], %add3A_136 {strides = array<i32>} : memref<10000x128xf32, #tpu.memory_space<vmem>>, vector<1x128xf32>,
      %scan3A_140 = arith.constant 3 : i32
      %scan3A_141 = arith.addi %scan3A_90, %scan3A_140 : i32
      %mul3A_142 = arith.constant 256 : i32
      %mul3A_143 = arith.muli %arg0, %mul3A_142 : i32
      %add3A_144 = arith.addi %mul3A_143, %scan3A_141 : i32
      %get3A_145 = arith.index_cast %add3A_144 : i32 to index
      %get3A_146 = memref.load %arg1[%get3A_145] : memref<2048xi32, #tpu.memory_space<smem>>
      %get3A_147 = arith.index_cast %get3A_146 : i32 to index
      %get3A_148 = arith.constant 0 : index
      %get3A_149 = vector.load %arg6[%get3A_147, %get3A_148] : memref<10000x128xf32, #tpu.memory_space<vmem>>, vector<1x128xf32>
      %get3A_150 = arith.index_cast %scan3A_141 : i32 to index
      %get3A_151 = arith.constant 0 : index
      %get3A_152 = vector.load %arg8[%get3A_150, %get3A_151] : memref<256x128xf32, #tpu.memory_space<vmem>>, vector<1x128xf32>
      %add3A_153 = arith.addf %get3A_149, %get3A_152 : vector<1x128xf32>
      %swap3A_154 = arith.index_cast %get3A_146 : i32 to index
      %swap3A_155 = arith.constant 0 : index
      %swap3A_156 = vector.load %arg6[%swap3A_154, %swap3A_155] : memref<10000x128xf32, #tpu.memory_space<vmem>>, vector<1x128xf32>
      tpu.vector_store %arg6[%swap3A_154, %swap3A_155], %add3A_153 {strides = array<i32>} : memref<10000x128xf32, #tpu.memory_space<vmem>>, vector<1x128xf32>,
      %scan3A_157 = arith.constant 4 : i32
      %scan3A_158 = arith.addi %scan3A_90, %scan3A_157 : i32
      %mul3A_159 = arith.constant 256 : i32
      %mul3A_160 = arith.muli %arg0, %mul3A_159 : i32
      %add3A_161 = arith.addi %mul3A_160, %scan3A_158 : i32
      %get3A_162 = arith.index_cast %add3A_161 : i32 to index
      %get3A_163 = memref.load %arg1[%get3A_162] : memref<2048xi32, #tpu.memory_space<smem>>
      %get3A_164 = arith.index_cast %get3A_163 : i32 to index
      %get3A_165 = arith.constant 0 : index
      %get3A_166 = vector.load %arg6[%get3A_164, %get3A_165] : memref<10000x128xf32, #tpu.memory_space<vmem>>, vector<1x128xf32>
      %get3A_167 = arith.index_cast %scan3A_158 : i32 to index
      %get3A_168 = arith.constant 0 : index
      %get3A_169 = vector.load %arg8[%get3A_167, %get3A_168] : memref<256x128xf32, #tpu.memory_space<vmem>>, vector<1x128xf32>
      %add3A_170 = arith.addf %get3A_166, %get3A_169 : vector<1x128xf32>
      %swap3A_171 = arith.index_cast %get3A_163 : i32 to index
      %swap3A_172 = arith.constant 0 : index
      %swap3A_173 = vector.load %arg6[%swap3A_171, %swap3A_172] : memref<10000x128xf32, #tpu.memory_space<vmem>>, vector<1x128xf32>
      tpu.vector_store %arg6[%swap3A_171, %swap3A_172], %add3A_170 {strides = array<i32>} : memref<10000x128xf32, #tpu.memory_space<vmem>>, vector<1x128xf32>,
      %scan3A_174 = arith.constant 5 : i32
      %scan3A_175 = arith.addi %scan3A_90, %scan3A_174 : i32
      %mul3A_176 = arith.constant 256 : i32
      %mul3A_177 = arith.muli %arg0, %mul3A_176 : i32
      %add3A_178 = arith.addi %mul3A_177, %scan3A_175 : i32
      %get3A_179 = arith.index_cast %add3A_178 : i32 to index
      %get3A_180 = memref.load %arg1[%get3A_179] : memref<2048xi32, #tpu.memory_space<smem>>
      %get3A_181 = arith.index_cast %get3A_180 : i32 to index
      %get3A_182 = arith.constant 0 : index
      %get3A_183 = vector.load %arg6[%get3A_181, %get3A_182] : memref<10000x128xf32, #tpu.memory_space<vmem>>, vector<1x128xf32>
      %get3A_184 = arith.index_cast %scan3A_175 : i32 to index
      %get3A_185 = arith.constant 0 : index
      %get3A_186 = vector.load %arg8[%get3A_184, %get3A_185] : memref<256x128xf32, #tpu.memory_space<vmem>>, vector<1x128xf32>
      %add3A_187 = arith.addf %get3A_183, %get3A_186 : vector<1x128xf32>
      %swap3A_188 = arith.index_cast %get3A_180 : i32 to index
      %swap3A_189 = arith.constant 0 : index
      %swap3A_190 = vector.load %arg6[%swap3A_188, %swap3A_189] : memref<10000x128xf32, #tpu.memory_space<vmem>>, vector<1x128xf32>
      tpu.vector_store %arg6[%swap3A_188, %swap3A_189], %add3A_187 {strides = array<i32>} : memref<10000x128xf32, #tpu.memory_space<vmem>>, vector<1x128xf32>,
      %scan3A_191 = arith.constant 6 : i32
      %scan3A_192 = arith.addi %scan3A_90, %scan3A_191 : i32
      %mul3A_193 = arith.constant 256 : i32
      %mul3A_194 = arith.muli %arg0, %mul3A_193 : i32
      %add3A_195 = arith.addi %mul3A_194, %scan3A_192 : i32
      %get3A_196 = arith.index_cast %add3A_195 : i32 to index
      %get3A_197 = memref.load %arg1[%get3A_196] : memref<2048xi32, #tpu.memory_space<smem>>
      %get3A_198 = arith.index_cast %get3A_197 : i32 to index
      %get3A_199 = arith.constant 0 : index
      %get3A_200 = vector.load %arg6[%get3A_198, %get3A_199] : memref<10000x128xf32, #tpu.memory_space<vmem>>, vector<1x128xf32>
      %get3A_201 = arith.index_cast %scan3A_192 : i32 to index
      %get3A_202 = arith.constant 0 : index
      %get3A_203 = vector.load %arg8[%get3A_201, %get3A_202] : memref<256x128xf32, #tpu.memory_space<vmem>>, vector<1x128xf32>
      %add3A_204 = arith.addf %get3A_200, %get3A_203 : vector<1x128xf32>
      %swap3A_205 = arith.index_cast %get3A_197 : i32 to index
      %swap3A_206 = arith.constant 0 : index
      %swap3A_207 = vector.load %arg6[%swap3A_205, %swap3A_206] : memref<10000x128xf32, #tpu.memory_space<vmem>>, vector<1x128xf32>
      tpu.vector_store %arg6[%swap3A_205, %swap3A_206], %add3A_204 {strides = array<i32>} : memref<10000x128xf32, #tpu.memory_space<vmem>>, vector<1x128xf32>,
      %scan3A_208 = arith.constant 7 : i32
      %scan3A_209 = arith.addi %scan3A_90, %scan3A_208 : i32
      %mul3A_210 = arith.constant 256 : i32
      %mul3A_211 = arith.muli %arg0, %mul3A_210 : i32
      %add3A_212 = arith.addi %mul3A_211, %scan3A_209 : i32
      %get3A_213 = arith.index_cast %add3A_212 : i32 to index
      %get3A_214 = memref.load %arg1[%get3A_213] : memref<2048xi32, #tpu.memory_space<smem>>
      %get3A_215 = arith.index_cast %get3A_214 : i32 to index
      %get3A_216 = arith.constant 0 : index
      %get3A_217 = vector.load %arg6[%get3A_215, %get3A_216] : memref<10000x128xf32, #tpu.memory_space<vmem>>, vector<1x128xf32>
      %get3A_218 = arith.index_cast %scan3A_209 : i32 to index
      %get3A_219 = arith.constant 0 : index
      %get3A_220 = vector.load %arg8[%get3A_218, %get3A_219] : memref<256x128xf32, #tpu.memory_space<vmem>>, vector<1x128xf32>
      %add3A_221 = arith.addf %get3A_217, %get3A_220 : vector<1x128xf32>
      %swap3A_222 = arith.index_cast %get3A_214 : i32 to index
      %swap3A_223 = arith.constant 0 : index
      %swap3A_224 = vector.load %arg6[%swap3A_222, %swap3A_223] : memref<10000x128xf32, #tpu.memory_space<vmem>>, vector<1x128xf32>
      tpu.vector_store %arg6[%swap3A_222, %swap3A_223], %add3A_221 {strides = array<i32>} : memref<10000x128xf32, #tpu.memory_space<vmem>>, vector<1x128xf32>,
    }
    %scan3A_89 = arith.constant 256 : i32
    return
  }
  func.func @transform_1(%arg0: i32, %arg1: memref<2048xi32, #tpu.memory_space<smem>>) -> (i32, i32) {
    %c0_i32 = arith.constant 0 : i32
    %c0_i32_0 = arith.constant 0 : i32
    %c0_i32_1 = arith.constant 0 : i32
    return %c0_i32, %c0_i32_0 : i32, i32
  }
  func.func @transform_2(%arg0: i32, %arg1: memref<2048xi32, #tpu.memory_space<smem>>) -> (i32, i32) {
    %c0_i32 = arith.constant 0 : i32
    %c0_i32_0 = arith.constant 0 : i32
    %c0_i32_1 = arith.constant 0 : i32
    return %c0_i32, %c0_i32_0 : i32, i32
  }
  func.func @transform_3(%arg0: i32, %arg1: memref<2048xi32, #tpu.memory_space<smem>>) -> (i32, i32) {
    %c0_i32 = arith.constant 0 : i32
    %c0_i32_0 = arith.constant 0 : i32
    %c0_i32_1 = arith.constant 0 : i32
    return %c0_i32, %c0_i32_0 : i32, i32
  }
  func.func @transform_4(%arg0: i32, %arg1: memref<2048xi32, #tpu.memory_space<smem>>) -> (i32, i32) {
    %c0_i32 = arith.constant 0 : i32
    %c0_i32_0 = arith.constant 0 : i32
    %c0_i32_1 = arith.constant 0 : i32
    return %c0_i32, %c0_i32_0 : i32, i32
  }
}

module attributes {stable_mosaic.version = 14 : i64} {
  func.func @_linear_scatter_body(%arg0: i32, %arg1: memref<2048xi32, #tpu.memory_space<smem>>, %arg2: memref<2048x512xf32, #tpu.memory_space<vmem>>, %arg3: memref<512x128xf32, #tpu.memory_space<vmem>>, %arg4: memref<1x128xf32, #tpu.memory_space<vmem>>, %arg5: memref<10000x128xbf16, #tpu.memory_space<vmem>>, %arg6: memref<10000x128xf32, #tpu.memory_space<vmem>>, %arg7: memref<2048x128xf32, #tpu.memory_space<vmem>>) attributes {dimension_semantics = [#tpu.dimension_semantics<arbitrary>], iteration_bounds = array<i64: 1>, scalar_prefetch = 1 : i64, scratch_operands = 2 : i64, tpu.core_type = #tpu.core_type<tc>, window_params = [{pipeline_mode = #tpu.pipeline_mode<synchronous>, transform_indices = @transform_0, window_bounds = array<i64: 2048, 512>}, {pipeline_mode = #tpu.pipeline_mode<synchronous>, transform_indices = @transform_1, window_bounds = array<i64: 512, 128>}, {pipeline_mode = #tpu.pipeline_mode<synchronous>, transform_indices = @transform_2, window_bounds = array<i64: 1, 128>}, {pipeline_mode = #tpu.pipeline_mode<synchronous>, transform_indices = @transform_3, window_bounds = array<i64: 10000, 128>}]} {
    %get3A = arith.constant 0 : index
    %get3A_0 = arith.constant 0 : index
    %get3A_1 = vector.load %arg2[%get3A, %get3A_0] : memref<2048x512xf32, #tpu.memory_space<vmem>>, vector<2048x512xf32>
    %get3A_2 = arith.constant 0 : index
    %get3A_3 = arith.constant 0 : index
    %get3A_4 = vector.load %arg3[%get3A_2, %get3A_3] : memref<512x128xf32, #tpu.memory_space<vmem>>, vector<512x128xf32>
    %dot_general3A = arith.constant dense<0.000000e+00> : vector<2048x128xf32>
    %dot_general3A_5 = tpu.matmul %get3A_1, %get3A_4, %dot_general3A {dimension_numbers = #tpu.dot_dimension_numbers<[1], [0], [0], [1], [0, 0, 1, 1], [], []>, transpose_lhs_hint = false} : vector<2048x512xf32>, vector<512x128xf32>, vector<2048x128xf32> -> vector<2048x128xf32>
    %get3A_6 = arith.constant 0 : index
    %get3A_7 = arith.constant 0 : index
    %get3A_8 = vector.load %arg4[%get3A_6, %get3A_7] : memref<1x128xf32, #tpu.memory_space<vmem>>, vector<1x128xf32>
    %add3A = vector.broadcast %get3A_8 : vector<1x128xf32> to vector<2048x128xf32>
    %add3A_9 = arith.addf %dot_general3A_5, %add3A : vector<2048x128xf32>
    %max3A = arith.constant 0.000000e+00 : f32
    %max3A_10 = vector.broadcast %max3A : f32 to vector<2048x128xf32>
    %max3A_11 = arith.maximumf %add3A_9, %max3A_10 : vector<2048x128xf32>
    %mul3A = arith.constant 4.8828125 : f32
    %mul3A_12 = vector.broadcast %mul3A : f32 to vector<2048x128xf32>
    %mul3A_13 = arith.mulf %max3A_11, %mul3A_12 : vector<2048x128xf32>
    %swap3A = arith.constant 0 : index
    %swap3A_14 = arith.constant 0 : index
    %swap3A_15 = vector.load %arg7[%swap3A, %swap3A_14] : memref<2048x128xf32, #tpu.memory_space<vmem>>, vector<2048x128xf32>
    tpu.vector_store %arg7[%swap3A, %swap3A_14], %mul3A_13 {strides = array<i32>} : memref<2048x128xf32, #tpu.memory_space<vmem>>, vector<2048x128xf32>,
    %broadcast_in_dim3A = arith.constant 0.000000e+00 : f32
    %broadcast_in_dim3A_16 = vector.broadcast %broadcast_in_dim3A : f32 to vector<10000x128xf32>
    %swap3A_17 = arith.constant 0 : index
    %swap3A_18 = arith.constant 0 : index
    %swap3A_19 = vector.load %arg6[%swap3A_17, %swap3A_18] : memref<10000x128xf32, #tpu.memory_space<vmem>>, vector<10000x128xf32>
    tpu.vector_store %arg6[%swap3A_17, %swap3A_18], %broadcast_in_dim3A_16 {strides = array<i32>} : memref<10000x128xf32, #tpu.memory_space<vmem>>, vector<10000x128xf32>,
    %scan3A = arith.constant 0 : i32
    %scan3A_20 = arith.constant 2048 : i32
    %scan3A_21 = arith.addi %scan3A, %scan3A_20 : i32
    %scan3A_22 = arith.constant 8 : i32
    scf.for %scan3A_30 = %scan3A to %scan3A_21 step %scan3A_22  : i32 {
      %get3A_31 = arith.index_cast %scan3A_30 : i32 to index
      %get3A_32 = memref.load %arg1[%get3A_31] : memref<2048xi32, #tpu.memory_space<smem>>
      %get3A_33 = arith.index_cast %get3A_32 : i32 to index
      %get3A_34 = arith.constant 0 : index
      %get3A_35 = vector.load %arg6[%get3A_33, %get3A_34] : memref<10000x128xf32, #tpu.memory_space<vmem>>, vector<1x128xf32>
      %get3A_36 = arith.index_cast %scan3A_30 : i32 to index
      %get3A_37 = arith.constant 0 : index
      %get3A_38 = vector.load %arg7[%get3A_36, %get3A_37] : memref<2048x128xf32, #tpu.memory_space<vmem>>, vector<1x128xf32>
      %add3A_39 = arith.addf %get3A_35, %get3A_38 : vector<1x128xf32>
      %swap3A_40 = arith.index_cast %get3A_32 : i32 to index
      %swap3A_41 = arith.constant 0 : index
      %swap3A_42 = vector.load %arg6[%swap3A_40, %swap3A_41] : memref<10000x128xf32, #tpu.memory_space<vmem>>, vector<1x128xf32>
      tpu.vector_store %arg6[%swap3A_40, %swap3A_41], %add3A_39 {strides = array<i32>} : memref<10000x128xf32, #tpu.memory_space<vmem>>, vector<1x128xf32>,
      %scan3A_43 = arith.constant 1 : i32
      %scan3A_44 = arith.addi %scan3A_30, %scan3A_43 : i32
      %get3A_45 = arith.index_cast %scan3A_44 : i32 to index
      %get3A_46 = memref.load %arg1[%get3A_45] : memref<2048xi32, #tpu.memory_space<smem>>
      %get3A_47 = arith.index_cast %get3A_46 : i32 to index
      %get3A_48 = arith.constant 0 : index
      %get3A_49 = vector.load %arg6[%get3A_47, %get3A_48] : memref<10000x128xf32, #tpu.memory_space<vmem>>, vector<1x128xf32>
      %get3A_50 = arith.index_cast %scan3A_44 : i32 to index
      %get3A_51 = arith.constant 0 : index
      %get3A_52 = vector.load %arg7[%get3A_50, %get3A_51] : memref<2048x128xf32, #tpu.memory_space<vmem>>, vector<1x128xf32>
      %add3A_53 = arith.addf %get3A_49, %get3A_52 : vector<1x128xf32>
      %swap3A_54 = arith.index_cast %get3A_46 : i32 to index
      %swap3A_55 = arith.constant 0 : index
      %swap3A_56 = vector.load %arg6[%swap3A_54, %swap3A_55] : memref<10000x128xf32, #tpu.memory_space<vmem>>, vector<1x128xf32>
      tpu.vector_store %arg6[%swap3A_54, %swap3A_55], %add3A_53 {strides = array<i32>} : memref<10000x128xf32, #tpu.memory_space<vmem>>, vector<1x128xf32>,
      %scan3A_57 = arith.constant 2 : i32
      %scan3A_58 = arith.addi %scan3A_30, %scan3A_57 : i32
      %get3A_59 = arith.index_cast %scan3A_58 : i32 to index
      %get3A_60 = memref.load %arg1[%get3A_59] : memref<2048xi32, #tpu.memory_space<smem>>
      %get3A_61 = arith.index_cast %get3A_60 : i32 to index
      %get3A_62 = arith.constant 0 : index
      %get3A_63 = vector.load %arg6[%get3A_61, %get3A_62] : memref<10000x128xf32, #tpu.memory_space<vmem>>, vector<1x128xf32>
      %get3A_64 = arith.index_cast %scan3A_58 : i32 to index
      %get3A_65 = arith.constant 0 : index
      %get3A_66 = vector.load %arg7[%get3A_64, %get3A_65] : memref<2048x128xf32, #tpu.memory_space<vmem>>, vector<1x128xf32>
      %add3A_67 = arith.addf %get3A_63, %get3A_66 : vector<1x128xf32>
      %swap3A_68 = arith.index_cast %get3A_60 : i32 to index
      %swap3A_69 = arith.constant 0 : index
      %swap3A_70 = vector.load %arg6[%swap3A_68, %swap3A_69] : memref<10000x128xf32, #tpu.memory_space<vmem>>, vector<1x128xf32>
      tpu.vector_store %arg6[%swap3A_68, %swap3A_69], %add3A_67 {strides = array<i32>} : memref<10000x128xf32, #tpu.memory_space<vmem>>, vector<1x128xf32>,
      %scan3A_71 = arith.constant 3 : i32
      %scan3A_72 = arith.addi %scan3A_30, %scan3A_71 : i32
      %get3A_73 = arith.index_cast %scan3A_72 : i32 to index
      %get3A_74 = memref.load %arg1[%get3A_73] : memref<2048xi32, #tpu.memory_space<smem>>
      %get3A_75 = arith.index_cast %get3A_74 : i32 to index
      %get3A_76 = arith.constant 0 : index
      %get3A_77 = vector.load %arg6[%get3A_75, %get3A_76] : memref<10000x128xf32, #tpu.memory_space<vmem>>, vector<1x128xf32>
      %get3A_78 = arith.index_cast %scan3A_72 : i32 to index
      %get3A_79 = arith.constant 0 : index
      %get3A_80 = vector.load %arg7[%get3A_78, %get3A_79] : memref<2048x128xf32, #tpu.memory_space<vmem>>, vector<1x128xf32>
      %add3A_81 = arith.addf %get3A_77, %get3A_80 : vector<1x128xf32>
      %swap3A_82 = arith.index_cast %get3A_74 : i32 to index
      %swap3A_83 = arith.constant 0 : index
      %swap3A_84 = vector.load %arg6[%swap3A_82, %swap3A_83] : memref<10000x128xf32, #tpu.memory_space<vmem>>, vector<1x128xf32>
      tpu.vector_store %arg6[%swap3A_82, %swap3A_83], %add3A_81 {strides = array<i32>} : memref<10000x128xf32, #tpu.memory_space<vmem>>, vector<1x128xf32>,
      %scan3A_85 = arith.constant 4 : i32
      %scan3A_86 = arith.addi %scan3A_30, %scan3A_85 : i32
      %get3A_87 = arith.index_cast %scan3A_86 : i32 to index
      %get3A_88 = memref.load %arg1[%get3A_87] : memref<2048xi32, #tpu.memory_space<smem>>
      %get3A_89 = arith.index_cast %get3A_88 : i32 to index
      %get3A_90 = arith.constant 0 : index
      %get3A_91 = vector.load %arg6[%get3A_89, %get3A_90] : memref<10000x128xf32, #tpu.memory_space<vmem>>, vector<1x128xf32>
      %get3A_92 = arith.index_cast %scan3A_86 : i32 to index
      %get3A_93 = arith.constant 0 : index
      %get3A_94 = vector.load %arg7[%get3A_92, %get3A_93] : memref<2048x128xf32, #tpu.memory_space<vmem>>, vector<1x128xf32>
      %add3A_95 = arith.addf %get3A_91, %get3A_94 : vector<1x128xf32>
      %swap3A_96 = arith.index_cast %get3A_88 : i32 to index
      %swap3A_97 = arith.constant 0 : index
      %swap3A_98 = vector.load %arg6[%swap3A_96, %swap3A_97] : memref<10000x128xf32, #tpu.memory_space<vmem>>, vector<1x128xf32>
      tpu.vector_store %arg6[%swap3A_96, %swap3A_97], %add3A_95 {strides = array<i32>} : memref<10000x128xf32, #tpu.memory_space<vmem>>, vector<1x128xf32>,
      %scan3A_99 = arith.constant 5 : i32
      %scan3A_100 = arith.addi %scan3A_30, %scan3A_99 : i32
      %get3A_101 = arith.index_cast %scan3A_100 : i32 to index
      %get3A_102 = memref.load %arg1[%get3A_101] : memref<2048xi32, #tpu.memory_space<smem>>
      %get3A_103 = arith.index_cast %get3A_102 : i32 to index
      %get3A_104 = arith.constant 0 : index
      %get3A_105 = vector.load %arg6[%get3A_103, %get3A_104] : memref<10000x128xf32, #tpu.memory_space<vmem>>, vector<1x128xf32>
      %get3A_106 = arith.index_cast %scan3A_100 : i32 to index
      %get3A_107 = arith.constant 0 : index
      %get3A_108 = vector.load %arg7[%get3A_106, %get3A_107] : memref<2048x128xf32, #tpu.memory_space<vmem>>, vector<1x128xf32>
      %add3A_109 = arith.addf %get3A_105, %get3A_108 : vector<1x128xf32>
      %swap3A_110 = arith.index_cast %get3A_102 : i32 to index
      %swap3A_111 = arith.constant 0 : index
      %swap3A_112 = vector.load %arg6[%swap3A_110, %swap3A_111] : memref<10000x128xf32, #tpu.memory_space<vmem>>, vector<1x128xf32>
      tpu.vector_store %arg6[%swap3A_110, %swap3A_111], %add3A_109 {strides = array<i32>} : memref<10000x128xf32, #tpu.memory_space<vmem>>, vector<1x128xf32>,
      %scan3A_113 = arith.constant 6 : i32
      %scan3A_114 = arith.addi %scan3A_30, %scan3A_113 : i32
      %get3A_115 = arith.index_cast %scan3A_114 : i32 to index
      %get3A_116 = memref.load %arg1[%get3A_115] : memref<2048xi32, #tpu.memory_space<smem>>
      %get3A_117 = arith.index_cast %get3A_116 : i32 to index
      %get3A_118 = arith.constant 0 : index
      %get3A_119 = vector.load %arg6[%get3A_117, %get3A_118] : memref<10000x128xf32, #tpu.memory_space<vmem>>, vector<1x128xf32>
      %get3A_120 = arith.index_cast %scan3A_114 : i32 to index
      %get3A_121 = arith.constant 0 : index
      %get3A_122 = vector.load %arg7[%get3A_120, %get3A_121] : memref<2048x128xf32, #tpu.memory_space<vmem>>, vector<1x128xf32>
      %add3A_123 = arith.addf %get3A_119, %get3A_122 : vector<1x128xf32>
      %swap3A_124 = arith.index_cast %get3A_116 : i32 to index
      %swap3A_125 = arith.constant 0 : index
      %swap3A_126 = vector.load %arg6[%swap3A_124, %swap3A_125] : memref<10000x128xf32, #tpu.memory_space<vmem>>, vector<1x128xf32>
      tpu.vector_store %arg6[%swap3A_124, %swap3A_125], %add3A_123 {strides = array<i32>} : memref<10000x128xf32, #tpu.memory_space<vmem>>, vector<1x128xf32>,
      %scan3A_127 = arith.constant 7 : i32
      %scan3A_128 = arith.addi %scan3A_30, %scan3A_127 : i32
      %get3A_129 = arith.index_cast %scan3A_128 : i32 to index
      %get3A_130 = memref.load %arg1[%get3A_129] : memref<2048xi32, #tpu.memory_space<smem>>
      %get3A_131 = arith.index_cast %get3A_130 : i32 to index
      %get3A_132 = arith.constant 0 : index
      %get3A_133 = vector.load %arg6[%get3A_131, %get3A_132] : memref<10000x128xf32, #tpu.memory_space<vmem>>, vector<1x128xf32>
      %get3A_134 = arith.index_cast %scan3A_128 : i32 to index
      %get3A_135 = arith.constant 0 : index
      %get3A_136 = vector.load %arg7[%get3A_134, %get3A_135] : memref<2048x128xf32, #tpu.memory_space<vmem>>, vector<1x128xf32>
      %add3A_137 = arith.addf %get3A_133, %get3A_136 : vector<1x128xf32>
      %swap3A_138 = arith.index_cast %get3A_130 : i32 to index
      %swap3A_139 = arith.constant 0 : index
      %swap3A_140 = vector.load %arg6[%swap3A_138, %swap3A_139] : memref<10000x128xf32, #tpu.memory_space<vmem>>, vector<1x128xf32>
      tpu.vector_store %arg6[%swap3A_138, %swap3A_139], %add3A_137 {strides = array<i32>} : memref<10000x128xf32, #tpu.memory_space<vmem>>, vector<1x128xf32>,
    }
    %scan3A_23 = arith.constant 2048 : i32
    %get3A_24 = arith.constant 0 : index
    %get3A_25 = arith.constant 0 : index
    %get3A_26 = vector.load %arg6[%get3A_24, %get3A_25] : memref<10000x128xf32, #tpu.memory_space<vmem>>, vector<10000x128xf32>
    %convert_element_type3A = arith.truncf %get3A_26 : vector<10000x128xf32> to vector<10000x128xbf16>
    %swap3A_27 = arith.constant 0 : index
    %swap3A_28 = arith.constant 0 : index
    %swap3A_29 = vector.load %arg5[%swap3A_27, %swap3A_28] : memref<10000x128xbf16, #tpu.memory_space<vmem>>, vector<10000x128xbf16>
    tpu.vector_store %arg5[%swap3A_27, %swap3A_28], %convert_element_type3A {strides = array<i32>} : memref<10000x128xbf16, #tpu.memory_space<vmem>>, vector<10000x128xbf16>,
    return
  }
  func.func @transform_0(%arg0: i32, %arg1: memref<2048xi32, #tpu.memory_space<smem>>) -> (i32, i32) {
    %c0_i32 = arith.constant 0 : i32
    %c0_i32_0 = arith.constant 0 : i32
    %c0_i32_1 = arith.constant 0 : i32
    return %c0_i32, %c0_i32_0 : i32, i32
  }
  func.func @transform_1(%arg0: i32, %arg1: memref<2048xi32, #tpu.memory_space<smem>>) -> (i32, i32) {
    %c0_i32 = arith.constant 0 : i32
    %c0_i32_0 = arith.constant 0 : i32
    %c0_i32_1 = arith.constant 0 : i32
    return %c0_i32, %c0_i32_0 : i32, i32
  }
  func.func @transform_2(%arg0: i32, %arg1: memref<2048xi32, #tpu.memory_space<smem>>) -> (i32, i32) {
    %c0_i32 = arith.constant 0 : i32
    %c0_i32_0 = arith.constant 0 : i32
    %c0_i32_1 = arith.constant 0 : i32
    return %c0_i32, %c0_i32_0 : i32, i32
  }
  func.func @transform_3(%arg0: i32, %arg1: memref<2048xi32, #tpu.memory_space<smem>>) -> (i32, i32) {
    %c0_i32 = arith.constant 0 : i32
    %c0_i32_0 = arith.constant 0 : i32
    %c0_i32_1 = arith.constant 0 : i32
    return %c0_i32, %c0_i32_0 : i32, i32
  }
}

</mosaic_0001>

<sc_bundles>
// kernel: kernel.5.cloned.1.call-start
scs
__scs_entry_jumppad:
0x0: {  	(pc) =	sbr.rel $0x88, $3  }
0x1: {  	(tag) =	ssettag $0x0;
	lr =	simm.s32 $0x1  }
0x2: {  	[smem:$0x3F9A] =	sst lr;
	_ =	strace $0xD0000000  }
0x3: {  	_ = 	snop  }
0x4: {  	_ = 	snop  }
0x5: {  	_ = 	snop  }
0x6: {  	_ = 	snop  }
0x7: {  	_ = 	snop  }
__scs_overlays_trampoline_lowered:
0x8: {  	[smem:$0x3FA9] =	sst s0  }
0x9: {  	[smem:$0x3FAA] =	sst s1  }
0xa: {  	[smem:$0x3FAB] =	sst s2  }
0xb: {  	[smem:$0x3FAC] =	sst s3  }
0xc: {  	[smem:$0x3FAD] =	sst s4  }
0xd: {  	[smem:$0x3FAE] =	sst s5  }
0xe: {  	[smem:$0x3FAF] =	sst s6  }
0xf: {  	[smem:$0x3FB0] =	sst s7  }
0x10: {  	[smem:$0x3FB1] =	sst s8  }
0x11: {  	[smem:$0x3FB2] =	sst s9;
	s0 =	simm.s32 @!p0 $0x0  }
0x12: {  	s1 =	sld [smem:$0x3F98];
	s0 =	simm.s32 @p0 $0x1  }
0x13: {  	[smem:$0x3FB3] =	sst s0;
	s0 =	simm.s32 @!p1 $0x0  }
0x14: {  	s2 =	sld [smem:$0x3F97];
	s0 =	simm.s32 @p1 $0x1  }
0x15: {  	[smem:$0x3FB4] =	sst s0;
	s0 =	simm.s32 @!p2 $0x0  }
0x16: {  	s3 =	sld [smem:$0x3FDB];
	s0 =	simm.s32 @p2 $0x1  }
0x17: {  	s4 =	simm.s32 $0x1BF5;
	[smem:$0x3FB6] =	sst s0  }
0x18: {  	s0 =	sld [smem:$0x3F99];
	_ =	swait.ge [sflag:s4], $0x0  }
0x19: {  	s7 =	sld [smem:$0x3F9A]  }
0x1a: {  	s8 =	sadd.s32 $0xFFFFE003, lr  }
0x1b: {  	s9 =	sadd.s32 $0xFFFFFEF7, lr;
	s5 =	simm.s32 $0xFFFFFFFF;
	p2 =	slt.u32 s8, $0xFFFFF086  }
0x1c: {  	p1 =	slt.u32 s9, $0xF7A;
	s5 =	simm.s32 @!p2 $0x0  }
0x1d: {  	s5 =	simm.s32 @p1 $0x1;
	p0 =	seq.s32 s7, s2  }
0x1e: {  	s7 =	smul.u32 @!p0 $0xF7A, s2;
	p2 =	seq.s32 @!p0 s5, $0x0  }
0x1f: {  	s9 =	smul.u32 $0xF7A, s1;
	s8 =	simm.s32 @!p0 $0x1BF5;
	p2 =	por !p2, p0  }
0x20: {  	[sflag:s8] =	ssyncset.s32 @!p0 $0xFFFFF086;
	s6 =	sadd.s32 @!p0 s3, s7;
	s7 =	simm.s32 @!p0 $0x108  }
0x21: {  	s3 =	sadd.s32 s3, s9;
	s6 =	sadd.s32 @!p0 $0x88, s6;
	s7 =	simm.s32 @p2 $0x1082  }
0x22: {  	[simem:s7], [sflag:s8] =	dma.local @!p0 [hbm:s6], $0xF7A  }
0x23: {  	s9 =	sor.u32 $0xD0000000, s2;
	s6 =	simm.s32 $0x108;
	_ =	swait.ge @!p0 [sflag:s8], $0x0  }
0x24: {  	s3 =	sadd.s32 $0x88, s3;
	s6 =	simm.s32 @!p1 $0x1082;
	[sflag:s4] =	ssyncset.s32 $0xFFFFF086  }
0x25: {  	[simem:s6], [sflag:s4] =	dma.local [hbm:s3], $0xF7A  }
0x26: {  	[smem:$0x3F9A] =	sst s1;
	(tag) =	ssettag s2;
	_ =	strace s9  }
0x27: {  	s1 =	sld [smem:$0x3FAA]  }
0x28: {  	s2 =	sld [smem:$0x3FAB]  }
0x29: {  	s4 =	sld [smem:$0x3FAD]  }
0x2a: {  	p0 =	seq.s32 s5, $0x0;
	s5 =	sld [smem:$0x3FAE]  }
0x2b: {  	s6 =	sld [smem:$0x3FAF]  }
0x2c: {  	s7 =	sld [smem:$0x3FB0]  }
0x2d: {  	s3 =	simm.s32 $0x108;
	s8 =	sld [smem:$0x3FB1]  }
0x2e: {  	s3 =	simm.s32 @!p0 $0x1082;
	s9 =	sld [smem:$0x3FB2]  }
0x2f: {  	lr =	sadd.s32 s0, s3;
	s0 =	sld [smem:$0x3FA9]  }
0x30: {  	s3 =	sld [smem:$0x3FAC]  }
0x31: {  	[smem:$0x3FB5] =	sst s10  }
0x32: {  	s10 =	sld [smem:$0x3FB3];
	_ =	sdelay $0x3  }
0x33: {  	p0 =	seq.s32 s10, $0x1;
	s10 =	sld [smem:$0x3FB5];
	_ =	sdelay $0x3  }
0x34: {  	[smem:$0x3FB5] =	sst s10  }
0x35: {  	s10 =	sld [smem:$0x3FB4];
	_ =	sdelay $0x3  }
0x36: {  	p1 =	seq.s32 s10, $0x1;
	s10 =	sld [smem:$0x3FB5];
	_ =	sdelay $0x3  }
0x37: {  	[smem:$0x3FB5] =	sst s10  }
0x38: {  	s10 =	sld [smem:$0x3FB6]  }
0x39: {  	_ = 	snop;
	(pc) =	sbr.ind lr, $3  }
0x3a: {  	_ = 	snop  }
0x3b: {  	_ = 	snop  }
0x3c: {  	p2 =	seq.s32 s10, $0x1;
	s10 =	sld [smem:$0x3FB5]  }
0x3d: {  	_ =	shalt  }
0x3e: {  	_ =	shalt  }
0x3f: {  	_ =	shalt  }
0x40: {  	_ =	shalt  }
0x41: {  	_ =	shalt  }
0x42: {  	_ =	shalt  }
0x43: {  	_ =	shalt  }
0x44: {  	_ =	shalt  }
0x45: {  	_ =	shalt  }
0x46: {  	_ =	shalt  }
0x47: {  	_ =	shalt  }
0x48: {  	_ =	shalt  }
0x49: {  	_ =	shalt  }
0x4a: {  	_ =	shalt  }
0x4b: {  	_ =	shalt  }
0x4c: {  	_ =	shalt  }
0x4d: {  	_ =	shalt  }
0x4e: {  	_ =	shalt  }
0x4f: {  	_ =	shalt  }
0x50: {  	_ =	shalt  }
0x51: {  	_ =	shalt  }
0x52: {  	_ =	shalt  }
0x53: {  	_ =	shalt  }
0x54: {  	_ =	shalt  }
0x55: {  	_ =	shalt  }
0x56: {  	_ =	shalt  }
0x57: {  	_ =	shalt  }
0x58: {  	_ =	shalt  }
0x59: {  	_ =	shalt  }
0x5a: {  	_ =	shalt  }
0x5b: {  	_ =	shalt  }
0x5c: {  	_ =	shalt  }
0x5d: {  	_ =	shalt  }
0x5e: {  	_ =	shalt  }
0x5f: {  	_ =	shalt  }
0x60: {  	_ =	shalt  }
0x61: {  	_ =	shalt  }
0x62: {  	_ =	shalt  }
0x63: {  	_ =	shalt  }
0x64: {  	_ =	shalt  }
0x65: {  	_ =	shalt  }
0x66: {  	_ =	shalt  }
0x67: {  	_ =	shalt  }
0x68: {  	_ =	shalt  }
0x69: {  	_ =	shalt  }
0x6a: {  	_ =	shalt  }
0x6b: {  	_ =	shalt  }
0x6c: {  	_ =	shalt  }
0x6d: {  	_ =	shalt  }
0x6e: {  	_ =	shalt  }
0x6f: {  	_ =	shalt  }
0x70: {  	_ =	shalt  }
0x71: {  	_ =	shalt  }
0x72: {  	_ =	shalt  }
0x73: {  	_ =	shalt  }
0x74: {  	_ =	shalt  }
0x75: {  	_ =	shalt  }
0x76: {  	_ =	shalt  }
0x77: {  	_ =	shalt  }
0x78: {  	_ =	shalt  }
0x79: {  	_ =	shalt  }
0x7a: {  	_ =	shalt  }
0x7b: {  	_ =	shalt  }
0x7c: {  	_ =	shalt  }
0x7d: {  	_ =	shalt  }
0x7e: {  	_ =	shalt  }
0x7f: {  	_ =	shalt  }
0x80: {  	_ =	shalt  }
0x81: {  	_ =	shalt  }
0x82: {  	_ =	shalt  }
0x83: {  	_ =	shalt  }
0x84: {  	_ =	shalt  }
0x85: {  	_ =	shalt  }
0x86: {  	_ =	shalt  }
0x87: {  	_ =	shalt  }
.Lfunc_end0:
.L_simem_size_0:
called_computation_lowered:
.L_overlay_start_0:
0x88: {  	s2 =	sld [smem:$0x3FD9]  }
0x89: {  	s3 =	sld [smem:$0x3FFE];
	_ =	sdelay $0x1  }
0x8a: {  	s1 =	srdreg.scid  }
0x8b: {  	s0 =	sand.u32 $0x1, s1  }
0x8c: {  	s17 =	sshll.u32 s0, $0xA;
	s2 =	sadd.s32 s3, s2  }
0x8d: {  	s2 =	sadd.s32 s2, s17  }
0x8e: {  	[smem:$0x3FC1] =	sst s2  }
0x8f: {  	_ = 	snop  }
0x90: {  	s2 =	sld [smem:$0x3FC9]  }
0x91: {  	s18 =	sld [smem:$0x3FD0];
	(tm) =	ssettm $0x1  }
0x92: {  	s4 =	sld [smem:$0x3FFB];
	_ =	sdelay $0x3  }
0x93: {  	_ =	strace s4  }
0x94: {  	s4 =	sld [smem:$0x3FFC];
	_ =	sdelay $0x3  }
0x95: {  	_ =	strace s4  }
0x96: {  	s4 =	sld [smem:$0x3FFD];
	_ =	sdelay $0x3  }
0x97: {  	_ =	strace s4  }
0x98: {  	_ =	strace $0x8FFFFFFF  }
0x99: {  	s19 =	sld [smem:$0x3FDB];
	_ =	sdelay $0x1  }
0x9a: {  	s5 =	simm.s32 $_scs_section_size  }
0x9b: {  	s6 =	simm.s32 $_size__tile_overlayer_lowered;
	s7 =	simm.s32 $_tile_overlayer_lowered  }
0x9c: {  	s22 =	simm.s32 $0x1BFF;
	s21 =	sshll.u32 s7, $0x1;
	s4 =	sadd.s32 s5, s19  }
0x9d: {  	s8 =	simm.s32 $0x0;
	s20 =	sshll.u32 s6, $0x1;
	s6 =	sadd.s32 s21, s4  }
0x9e: {  	[timem:s8], [sflag:s22] =	dma.local [hbm:s6], s20  }
0x9f: {  	_ =	swait.ge [sflag:s22], s20  }
0xa0: {  	s5 =	ssub.s32 $0x0, s20;
	[sflag:s22] =	ssyncset.done $0x0  }
0xa1: {  	[sflag:s22] =	ssyncadd.s32 s5;
	_ =	sdelay $0x1  }
0xa2: {  	s23 =	simm.s32 $0x1B8B  }
0xa3: {  	_ =	swait.ge [sflag:s23], $0x1  }
0xa4: {  	[sflag:s23] =	ssyncset.done $0x0  }
0xa5: {  	s25 =	simm.s32 $0x1B8E;
	s24 =	sld [smem:$0x3FFE];
	[sflag:s23] =	ssyncadd.s32 $0xFFFFFFFF  }
0xa6: {  	s26 =	simm.s32 $execute0_lowered;
	[smem:$0x3FD2] =	sst s25  }
0xa7: {  	s6 =	sshll.u32 s26, $0x1;
	_ =	strace $0x80000046;
	[dreg:$0x1] =	wrdreg $0xFFFFFFFF  }
0xa8: {  	s28 =	simm.s32 $_size_execute0_lowered;
	s4 =	sadd.s32 s4, s6;
	[dreg:$0x0] =	wrdreg $0x0  }
0xa9: {  	s6 =	sshll.u32 s28, $0x1;
	[dreg:$0x2] =	wrdreg s4  }
0xaa: {  	[dreg:$0x3] =	wrdreg s6  }
0xab: {  	[dreg:$0x4] =	wrdreg $0xC0  }
0xac: {  	_ =	task [dreg:s8], $0x5FFFF  }
0xad: {  	[dreg:$0x1] =	wrdreg $0xFFFFFFFF  }
0xae: {  	[dreg:$0x0] =	wrdreg $0x60  }
0xaf: {  	[dreg:$0x2] =	wrdreg s24  }
0xb0: {  	[dreg:$0x3] =	wrdreg s2  }
0xb1: {  	[dreg:$0x4] =	wrdreg s18  }
0xb2: {  	[dreg:$0x5] =	wrdreg $0x9  }
0xb3: {  	_ =	task.clear_ibuf [dreg:s8], $0x6FFFF;
	_ =	strace $0x90000046  }
0xb4: {  	s29 =	simm.s32 $0x9;
	_ =	strace $0x80000048  }
0xb5: {  	_ =	swait.ge [sflag:s29], $0x1  }
0xb6: {  	[sflag:s29] =	ssyncadd.s32 $0xFFFFFFFF  }
0xb7: {  	_ =	strace $0x90000048  }
0xb8: {  	_ =	sfence  }
0xb9: {  	s30 =	sld [smem:$0x0];
	_ =	sdelay $0x2  }
0xba: {  	s31 =	sshll.u32 s1, $0xD;
	s1 =	sshrl.u32 s1, $0x2  }
0xbb: {  	s3 =	sand.u32 $0x4000, s31;
	s1 =	sadd.s32 s1, s30  }
0xbc: {  	s0 =	sor.u32 s3, s0;
	s1 =	sshll.u32 s1, $0x11  }
0xbd: {  	s0 =	sor.u32 s1, s0  }
0xbe: {  	s0 =	sadd.s32 $0x8F2B, s0  }
0xbf: {  	[sflag:s0] =	ssyncadd.remote.s32 $0x1  }
0xc0: {  	_ =	sfence.sel $0xFFFF  }
0xc1: {  	[dreg:$0x0] =	wrdreg $0xFFFFFFFF;
	(pc) =	sbr.abs _section_cstart, $3  }
0xc2: {  	[dreg:$0x1] =	wrdreg $0xFFFFFFFF  }
0xc3: {  	_ =	task.clear_ibuf [dreg:s8], $0x2FFFF;
	_ =	strace $0x9FFFFFFF  }
0xc4: {  	(tm) =	ssettm $0x7FFFFFFF  }
0xc5: {  	_ =	shalt  }
tec
execute0_lowered:
.L_overlay_start_1:
0x0: {  	(tag) =	ssettag $0x1  }
0x1: {  	s4 =	rddreg [dreg:$0x0]  }
0x2: {  	s1 =	srdreg.scid;
	s2 =	rddreg [dreg:$0x1]  }
0x3: {  	s0 =	stileid.u32;
	s6 =	rddreg [dreg:$0x2]  }
0x4: {  	s3 =	simm.s32 $0x0;
	s9 =	simm.s32 $0x80;
	s10 =	simm.s32 $0x880  }
0x5: {  	s11 =	simm.s32 $0x1080;
	s12 =	simm.s32 $0x1880;
	s13 =	simm.s32 $0x2080  }
0x6: {  	s14 =	simm.s32 $0x2880;
	s15 =	simm.s32 $0x3080;
	s16 =	simm.s32 $0x3880  }
0x7: {  	s17 =	simm.s32 $0x4080;
	s18 =	simm.s32 $0x4880;
	s19 =	simm.s32 $0x5080  }
0x8: {  	s20 =	simm.s32 $0x5880;
	s21 =	simm.s32 $0x6080;
	s22 =	simm.s32 $0x6880  }
0x9: {  	s23 =	simm.s32 $0x7080;
	s24 =	simm.s32 $0x7880;
	s5 =	sand.u32 $0x1, s1  }
0xa: {  	s7 =	sshll.u32 s0, $0x7;
	s1 =	rddreg [dreg:$0x3];
	s8 =	sshll.u32 s5, $0x6  }
0xb: {  	s25 =	simm.s32 $0x1;
	[smem:$0x7FF] =	sst s3;
	s7 =	sor.u32 s8, s7  }
0xc: {  	s5 =	ssub.s32 $0x2, s5;
	_ =	strace $0x80000047;
	s8 =	sshrl.u32 s7, $0x3  }
0xd: {  	v2 =	vlaneseq.u32;
	s31 =	sshrl.u32 s5, $0x1;
	s7 =	sshll.u32 s7, $0x6;
	s4 =	sadd.s32 s8, s4  }
0xe: {  	vm0 =	vmmov $0xffff;
	v1 =	vshrl.u32 v2, $0x3;
	s8 =	ssub.s32 s5, s31;
	s5 =	sadd.s32 $0x100, s2;
	s6 =	sadd.s32 s6, s7  }
0xf: {  	v0 =	vand.u32 $0x7, v2;
	v2 =	vor.u32 $0x8, v2;
	v1 =	vmul.u32 $0x8, v1;
	s4 =	sadd.s32 $0x1200, s4;
	s7 =	smax.u32 s8, $0x1;
	s8 =	simm.s32 $0x2  }
.LBB2_1:
0x10: {  	[tilespmem:s3], [sflag:$0x2] =	stream.linear.gather [hbm4b:s4+s3], $0x40, $0x38;
	[tilespmem:$0x8080] =	vst v63  }
0x11: {  	_ =	swait.ge [sflag:s8], $0x40  }
0x12: {  	[sflag:s8] =	ssyncset.done $0x0  }
0x13: {  	[sflag:s8] =	ssyncadd.s32 $0xFFFFFFC0  }
0x14: {  	v3 =	vld [tilespmem:$0x0];
	_ =	sdelay $0x4  }
0x15: {  	v4 =	vshll.u32 v3, $0x2  }
0x16: {  	v3 =	vand.u32 $0x7, v3;
	v4 =	vand.u32 $0xFFFFFFE0, v4  }
0x17: {  	v3 =	vor.u32 v3, v4  }
0x18: {  	v4 =	vperm.xlane v3, v0;
	_ =	sdelay $0x1  }
0x19: {  	v4 =	vadd.s32 v1, v4;
	_ =	sdelay $0x1  }
0x1a: {  	v3 =	vperm.xlane v3, v2;
	_ =	sdelay $0x1  }
0x1b: {  	v3 =	vadd.s32 v1, v3  }
0x1c: {  	[tilespmem:s9], [sflag:$0x1] =	stream.indirect_vreg.gather [hbm4b:s2+s3], $0x80, v4, vm0, $0xb8;
	[tilespmem:$0x8080] =	vst v63  }
0x1d: {  	_ = 	snop  }
0x1e: {  	[tilespmem:s10], [sflag:$0x1] =	stream.indirect_vreg.gather [hbm4b:s5+s3], $0x80, v4, vm0, $0xb8;
	[tilespmem:$0x8080] =	vst v63  }
0x1f: {  	_ = 	snop  }
0x20: {  	[tilespmem:s11], [sflag:$0x1] =	stream.indirect_vreg.gather [hbm4b:s2+s3], $0x80, v3, vm0, $0xb8;
	[tilespmem:$0x8080] =	vst v63  }
0x21: {  	_ = 	snop  }
0x22: {  	[tilespmem:s12], [sflag:$0x1] =	stream.indirect_vreg.gather [hbm4b:s5+s3], $0x80, v3, vm0, $0xb8;
	[tilespmem:$0x8080] =	vst v63  }
0x23: {  	v3 =	vld [tilespmem:$0x10];
	_ =	sdelay $0x4  }
0x24: {  	v61 =	vshll.u32 v3, $0x2  }
0x25: {  	v3 =	vand.u32 $0x7, v3;
	v4 =	vand.u32 $0xFFFFFFE0, v61  }
0x26: {  	v3 =	vor.u32 v3, v4  }
0x27: {  	v4 =	vperm.xlane v3, v0;
	_ =	sdelay $0x1  }
0x28: {  	v4 =	vadd.s32 v1, v4;
	_ =	sdelay $0x1  }
0x29: {  	v3 =	vperm.xlane v3, v2;
	_ =	sdelay $0x1  }
0x2a: {  	v3 =	vadd.s32 v1, v3  }
0x2b: {  	[tilespmem:s13], [sflag:$0x1] =	stream.indirect_vreg.gather [hbm4b:s2+s3], $0x80, v4, vm0, $0xb8;
	[tilespmem:$0x8080] =	vst v63  }
0x2c: {  	_ = 	snop  }
0x2d: {  	[tilespmem:s14], [sflag:$0x1] =	stream.indirect_vreg.gather [hbm4b:s5+s3], $0x80, v4, vm0, $0xb8;
	[tilespmem:$0x8080] =	vst v63  }
0x2e: {  	_ = 	snop  }
0x2f: {  	[tilespmem:s15], [sflag:$0x1] =	stream.indirect_vreg.gather [hbm4b:s2+s3], $0x80, v3, vm0, $0xb8;
	[tilespmem:$0x8080] =	vst v63  }
0x30: {  	_ = 	snop  }
0x31: {  	[tilespmem:s16], [sflag:$0x1] =	stream.indirect_vreg.gather [hbm4b:s5+s3], $0x80, v3, vm0, $0xb8;
	[tilespmem:$0x8080] =	vst v63  }
0x32: {  	v3 =	vld [tilespmem:$0x20];
	_ =	sdelay $0x4  }
0x33: {  	v62 =	vshll.u32 v3, $0x2  }
0x34: {  	v3 =	vand.u32 $0x7, v3;
	v4 =	vand.u32 $0xFFFFFFE0, v62  }
0x35: {  	v3 =	vor.u32 v3, v4  }
0x36: {  	v4 =	vperm.xlane v3, v0;
	_ =	sdelay $0x1  }
0x37: {  	v4 =	vadd.s32 v1, v4;
	_ =	sdelay $0x1  }
0x38: {  	v3 =	vperm.xlane v3, v2;
	_ =	sdelay $0x1  }
0x39: {  	v3 =	vadd.s32 v1, v3  }
0x3a: {  	[tilespmem:s17], [sflag:$0x1] =	stream.indirect_vreg.gather [hbm4b:s2+s3], $0x80, v4, vm0, $0xb8;
	[tilespmem:$0x8080] =	vst v63  }
0x3b: {  	_ = 	snop  }
0x3c: {  	[tilespmem:s18], [sflag:$0x1] =	stream.indirect_vreg.gather [hbm4b:s5+s3], $0x80, v4, vm0, $0xb8;
	[tilespmem:$0x8080] =	vst v63  }
0x3d: {  	_ = 	snop  }
0x3e: {  	[tilespmem:s19], [sflag:$0x1] =	stream.indirect_vreg.gather [hbm4b:s2+s3], $0x80, v3, vm0, $0xb8;
	[tilespmem:$0x8080] =	vst v63  }
0x3f: {  	_ = 	snop  }
0x40: {  	[tilespmem:s20], [sflag:$0x1] =	stream.indirect_vreg.gather [hbm4b:s5+s3], $0x80, v3, vm0, $0xb8;
	[tilespmem:$0x8080] =	vst v63  }
0x41: {  	v3 =	vld [tilespmem:$0x30];
	_ =	sdelay $0x4  }
0x42: {  	v63 =	vshll.u32 v3, $0x2  }
0x43: {  	v3 =	vand.u32 $0x7, v3;
	v4 =	vand.u32 $0xFFFFFFE0, v63  }
0x44: {  	v3 =	vor.u32 v3, v4  }
0x45: {  	v4 =	vperm.xlane v3, v0;
	_ =	sdelay $0x1  }
0x46: {  	v4 =	vadd.s32 v1, v4;
	_ =	sdelay $0x1  }
0x47: {  	v3 =	vperm.xlane v3, v2;
	_ =	sdelay $0x1  }
0x48: {  	v3 =	vadd.s32 v1, v3  }
0x49: {  	[tilespmem:s21], [sflag:$0x1] =	stream.indirect_vreg.gather [hbm4b:s2+s3], $0x80, v4, vm0, $0xb8;
	[tilespmem:$0x8080] =	vst v63  }
0x4a: {  	_ = 	snop  }
0x4b: {  	[tilespmem:s22], [sflag:$0x1] =	stream.indirect_vreg.gather [hbm4b:s5+s3], $0x80, v4, vm0, $0xb8;
	[tilespmem:$0x8080] =	vst v63  }
0x4c: {  	_ = 	snop  }
0x4d: {  	[tilespmem:s23], [sflag:$0x1] =	stream.indirect_vreg.gather [hbm4b:s2+s3], $0x80, v3, vm0, $0xb8;
	[tilespmem:$0x8080] =	vst v63  }
0x4e: {  	_ = 	snop  }
0x4f: {  	[tilespmem:s24], [sflag:$0x1] =	stream.indirect_vreg.gather [hbm4b:s5+s3], $0x80, v3, vm0, $0xb8;
	[tilespmem:$0x8080] =	vst v63  }
0x50: {  	_ =	swait.ge [sflag:s25], $0x8000  }
0x51: {  	p0 =	sne.s32 s7, $0x1;
	[sflag:s25] =	ssyncset.done $0x0  }
.Ltmp0:
0x52: {  	[sflag:s25] =	ssyncadd.s32 $0xFFFF8000;
	(pc) =	sbr.rel @p0 .LBB2_1-.Ltmp0, $4  }
0x53: {  	[hbm4b:s6+s3] =	stream.linear.scatter [tilespmem:s9], [sflag:$0x2], $0x8000, $0x38;
	[tilespmem:$0x8080] =	vst v63  }
0x54: {  	_ =	swait.ge [sflag:s8], $0x8000  }
0x55: {  	[sflag:s8] =	ssyncset.done $0x0  }
0x56: {  	s7 =	sadd.s32 $0xFFFFFFFF, s7;
	[sflag:s8] =	ssyncadd.s32 $0xFFFF8000  }
0x57: {  	_ =	sfence.sel $0x180000  }
0x58: {  	[bflag:$0x0] =	sbarrier.arrive $0xFFFF  }
0x59: {  	p0 =	sne.s32 s0, $0x0;
	_ =	strace $0x90000047  }
0x5a: {  	s0 =	sadd.s32 @!p0 $0x100000, s1;
	[bflag:$0x2] =	sbarrier.arrive $0xFFFF  }
0x5b: {  	[sflag:s0] =	ssyncadd.tile.s32 @!p0 $0x1;
	_ =	shalt  }
.Lfunc_end2:
_tile_overlayer_lowered:
.L_overlay_start_2:
0x5c: {  	(tag) =	ssettag $0x2  }
0x5d: {  	s0 =	rddreg [dreg:$0x0];
	s2 =	stileid.u32  }
0x5e: {  	s1 =	rddreg [dreg:$0x1];
	p0 =	sne.s32 s2, $0x0  }
0x5f: {  	s3 =	rddreg [dreg:$0x2];
	[bflag:$0x3] =	sbarrier.arrive $0xFFFF;
	s2 =	simm.s32 @!p0 $0x1C02  }
0x60: {  	[timem:s3], [sflag:s2] =	dma.local @!p0 [hbm:s0], s1  }
0x61: {  	s0 =	simm.s32 @!p0 $0x2  }
0x62: {  	_ =	swait.ge @!p0 [sflag:s0], s1  }
0x63: {  	s1 =	ssub.s32 @!p0 $0x0, s1;
	[sflag:s0] =	ssyncset.done @!p0 $0x0  }
0x64: {  	[sflag:s0] =	ssyncadd.s32 @!p0 s1  }
0x65: {  	[bflag:$0x3] =	sbarrier.arrive $0xFFFF  }
0x66: {  	_ =	shalt  }

</sc_bundles>
